<compile_context>
chip_gen: v7x
topology: tpu7x:2x2x1
jax: 0.10.2.dev20260603
libtpu: 0.0.44.dev20260713+nightly
codegen_flags: <defaults>
</compile_context>

<pallas_src>
import functools

import jax
import jax.numpy as jnp
from jax import lax
from jax.experimental import pallas as pl
from jax.experimental.pallas import tpu as pltpu
from jax.experimental.pallas import tpu_sc as plsc

H = 16
DH = 64
KS = 4
TOPK = 64
SCALE = 1.0 / (DH ** 0.5)

TS = 1024

def _qkv_pool_body(hs_ref, wq_ref, wk_ref, wv_ref, q_ref, pk_ref, pv_ref):
    hs = hs_ref[0]
    q_ref[0] = jnp.dot(hs, wq_ref[...], preferred_element_type=jnp.float32)
    k = jnp.dot(hs, wk_ref[...], preferred_element_type=jnp.float32)
    ts, d = hs.shape
    pk_ref[0] = k.reshape(ts // KS, KS, d).mean(axis=1)
    hsp = hs.reshape(ts // KS, KS, d).mean(axis=1)
    pv_ref[0] = jnp.dot(hsp, wv_ref[...], preferred_element_type=jnp.float32)


def _routing_topk_body(q_ref, pk_ref, idx_ref, macc_ref):
    b = pl.program_id(0)
    st = pl.program_id(1)
    n_st = pl.num_programs(1)
    q = q_ref[0]
    k = pk_ref[0]
    m = None
    for h in range(H):
        qh = q[:, h * DH:(h + 1) * DH]
        kh = k[:, h * DH:(h + 1) * DH]
        s = lax.dot_general(qh, kh, (((1,), (1,)), ((), ())),
                            preferred_element_type=jnp.float32)
        mh = jnp.max(s, axis=0, keepdims=True)
        m = mh if m is None else jnp.maximum(m, mh)

    @pl.when(st == 0)
    def _init():
        macc_ref[...] = m

    @pl.when(st > 0)
    def _acc():
        macc_ref[...] = jnp.maximum(macc_ref[...], m)

    @pl.when(st == n_st - 1)
    def _topk():
        sc0 = macc_ref[...]
        c = sc0.shape[1]
        iota_c = lax.broadcasted_iota(jnp.int32, (1, c), 1)
        iota_k = lax.broadcasted_iota(jnp.int32, (1, TOPK), 1)

        def body(i, carry):
            sc, acc = carry
            mx = jnp.max(sc)
            sel = jnp.min(jnp.where(sc == mx, iota_c, jnp.int32(c)))
            acc = jnp.where(iota_k == i, sel, acc)
            sc = jnp.where(iota_c == sel, -jnp.inf, sc)
            return sc, acc

        _, acc = lax.fori_loop(0, TOPK, body,
                               (sc0, jnp.zeros((1, TOPK), jnp.int32)))
        idx_ref[0] = acc + b * c


def _attn_body(q_ref, sk_ref, sv_ref, wo_ref, o_ref):
    q = q_ref[0].astype(jnp.bfloat16)
    sk = sk_ref[0].astype(jnp.bfloat16)
    sv = sv_ref[0].astype(jnp.bfloat16)
    outs = []
    for h in range(H):
        qh = q[:, h * DH:(h + 1) * DH]
        kh = sk[:, h * DH:(h + 1) * DH]
        vh = sv[:, h * DH:(h + 1) * DH]
        logits = lax.dot_general(qh, kh, (((1,), (1,)), ((), ())),
                                 preferred_element_type=jnp.float32) * SCALE
        m = jnp.max(logits, axis=1, keepdims=True)
        p = jnp.exp(logits - m)
        attn = p / jnp.sum(p, axis=1, keepdims=True)
        outs.append(jnp.dot(attn.astype(jnp.bfloat16), vh,
                            preferred_element_type=jnp.float32))
    o = jnp.concatenate(outs, axis=1).astype(jnp.bfloat16)
    o_ref[0] = jnp.dot(o, wo_ref[...], preferred_element_type=jnp.float32)


def _sc_gather(pk_flat, pv_flat, idx_flat):
    n_rows = idx_flat.shape[0]
    d = pk_flat.shape[1]
    rows_per_w = 8
    n_workers = n_rows // rows_per_w

    @functools.partial(
        pl.kernel,
        mesh=plsc.VectorSubcoreMesh(core_axis_name="c", subcore_axis_name="s"),
        out_type=[jax.ShapeDtypeStruct((n_rows, d), jnp.float32),
                  jax.ShapeDtypeStruct((n_rows, d), jnp.float32)],
        scratch_types=[pltpu.VMEM((rows_per_w,), jnp.int32),
                       pltpu.VMEM((rows_per_w, d), jnp.float32),
                       pltpu.VMEM((rows_per_w, d), jnp.float32),
                       pltpu.SemaphoreType.DMA],
    )
    def gather(pk_hbm, pv_hbm, idx_hbm, selk_hbm, selv_hbm,
               idx_v, krows_v, vrows_v, sem):
        wid = lax.axis_index("s") * 2 + lax.axis_index("c")

        @pl.when(wid < n_workers)
        def _():
            base = wid * rows_per_w
            pltpu.sync_copy(idx_hbm.at[pl.ds(base, rows_per_w)], idx_v)
            pltpu.async_copy(pk_hbm.at[idx_v], krows_v, sem).wait()
            pltpu.sync_copy(krows_v, selk_hbm.at[pl.ds(base, rows_per_w)])
            pltpu.async_copy(pv_hbm.at[idx_v], vrows_v, sem).wait()
            pltpu.sync_copy(vrows_v, selv_hbm.at[pl.ds(base, rows_per_w)])

    return gather(pk_flat, pv_flat, idx_flat)


def kernel(hidden_states, Wq, Wk, Wv, Wo):
    B, S, D = hidden_states.shape
    C = S // KS
    n_tiles = S // TS

    q, pk, pv = pl.pallas_call(
        _qkv_pool_body,
        grid=(B, n_tiles),
        in_specs=[
            pl.BlockSpec((1, TS, D), lambda b, s: (b, s, 0)),
            pl.BlockSpec((D, D), lambda b, s: (0, 0)),
            pl.BlockSpec((D, D), lambda b, s: (0, 0)),
            pl.BlockSpec((D, D), lambda b, s: (0, 0)),
        ],
        out_specs=[
            pl.BlockSpec((1, TS, D), lambda b, s: (b, s, 0)),
            pl.BlockSpec((1, TS // KS, D), lambda b, s: (b, s, 0)),
            pl.BlockSpec((1, TS // KS, D), lambda b, s: (b, s, 0)),
        ],
        out_shape=[
            jax.ShapeDtypeStruct((B, S, D), jnp.float32),
            jax.ShapeDtypeStruct((B, C, D), jnp.float32),
            jax.ShapeDtypeStruct((B, C, D), jnp.float32),
        ],
    )(hidden_states, Wq, Wk, Wv)

    idx = pl.pallas_call(
        _routing_topk_body,
        grid=(B, n_tiles),
        in_specs=[
            pl.BlockSpec((1, TS, D), lambda b, s: (b, s, 0)),
            pl.BlockSpec((1, C, D), lambda b, s: (b, 0, 0)),
        ],
        out_specs=pl.BlockSpec((1, 1, TOPK), lambda b, s: (b, 0, 0)),
        out_shape=jax.ShapeDtypeStruct((B, 1, TOPK), jnp.int32),
        scratch_shapes=[pltpu.VMEM((1, C), jnp.float32)],
    )(q, pk)

    selk, selv = _sc_gather(pk.reshape(B * C, D), pv.reshape(B * C, D),
                            idx.reshape(B * TOPK))

    out = pl.pallas_call(
        _attn_body,
        grid=(B, n_tiles),
        in_specs=[
            pl.BlockSpec((1, TS, D), lambda b, s: (b, s, 0)),
            pl.BlockSpec((1, TOPK, D), lambda b, s: (b, 0, 0)),
            pl.BlockSpec((1, TOPK, D), lambda b, s: (b, 0, 0)),
            pl.BlockSpec((D, D), lambda b, s: (0, 0)),
        ],
        out_specs=pl.BlockSpec((1, TS, D), lambda b, s: (b, s, 0)),
        out_shape=jax.ShapeDtypeStruct((B, S, D), jnp.float32),
    )(q, selk.reshape(B, TOPK, D), selv.reshape(B, TOPK, D),
      Wo.astype(jnp.bfloat16))

    return out

# --- scband reference (transcript-rebuilt; emitter-appended) ---
"""Pipeline reference for scband-sparse-attention-block-19267223289859 (READ-ONLY COPY).

The authoritative reference and input builder live on the scoring server;
editing this copy changes nothing except your own understanding.
"""

import jax, jax.numpy as jnp
import numpy as np

H = 16      # num_heads
DH = 64     # head_dim
KS = 4      # kernel_size (KV pooling factor)
TOPK = 64   # top_k chunks


def setup_inputs(seed: int = 0) -> dict:
    key = jax.random.key(seed)
    k1, k2, k3, k4, k5 = jax.random.split(key, 5)
    B, S, D = 2, 4096, 1024
    return {
        "hidden_states": jax.random.normal(k1, (B, S, D), dtype=jnp.float32),
        "Wq": jax.random.normal(k2, (D, D), dtype=jnp.float32) * 0.02,
        "Wk": jax.random.normal(k3, (D, D), dtype=jnp.float32) * 0.02,
        "Wv": jax.random.normal(k4, (D, D), dtype=jnp.float32) * 0.02,
        "Wo": jax.random.normal(k5, (D, D), dtype=jnp.float32) * 0.02,
    }


def reference(hidden_states, Wq, Wk, Wv, Wo):
    B, S, D = hidden_states.shape
    # Q/K/V projections (Dense, no bias)
    q = (hidden_states @ Wq).reshape(B, S, H, DH).transpose(0, 2, 1, 3)  # (B,H,S,DH)
    k = (hidden_states @ Wk).reshape(B, S, H, DH)                        # (B,S,H,DH)
    v = (hidden_states @ Wv).reshape(B, S, H, DH)
    # KVCachePooling: chunk-mean pooling along sequence (S divisible by KS)
    C = S // KS
    pooled_k = k.reshape(B, C, KS, H, DH).mean(axis=2)  # (B,C,H,DH)
    pooled_v = v.reshape(B, C, KS, H, DH).mean(axis=2)
    scale = 1.0 / jnp.sqrt(jnp.float32(DH))
    # TopKSparseRouter: routing scores q vs pooled keys
    keys_t = pooled_k.transpose(0, 2, 3, 1)                 # (B,H,DH,C)
    routing = jnp.einsum('bhsd,bhdc->bhsc', q, keys_t) * scale  # (B,H,S,C)
    routing = jnp.max(routing, axis=1)  # head_reduce='max' -> (B,S,C)
    routing = jnp.max(routing, axis=1)  # query_reduce='max' -> (B,C)
    top_scores, top_idx = jax.lax.top_k(routing, TOPK)      # (B,K)
    # Gather selected chunks
    sel_k = jnp.take_along_axis(pooled_k, top_idx[:, :, None, None], axis=1)  # (B,K,H,DH)
    sel_v = jnp.take_along_axis(pooled_v, top_idx[:, :, None, None], axis=1)
    # Sparse attention over selected chunks
    logits = jnp.einsum('bhsd,bkhd->bhsk', q, sel_k) * scale  # (B,H,S,K)
    attn = jax.nn.softmax(logits, axis=-1)
    out = jnp.einsum('bhsk,bkhd->bhsd', attn, sel_v)          # (B,H,S,DH)
    out = out.transpose(0, 2, 1, 3).reshape(B, S, D)
    return out @ Wo

if __name__ == "__main__":
    import jax
    _d = setup_inputs()
    print(jax.jit(kernel)(*tuple(_d.values())))

</pallas_src>

<mosaic_0001>
#map = affine_map<(d0, d1) -> (0, 0)>
#map1 = affine_map<(d0, d1) -> (0)>
module attributes {stable_mosaic.version = 14 : i64} {
  func.func @gather(%arg0: i32, %arg1: i32, %arg2: memref<2048x1024xf32, #tpu.memory_space<hbm>>, %arg3: memref<2048x1024xf32, #tpu.memory_space<hbm>>, %arg4: memref<128xi32, #tpu.memory_space<hbm>>, %arg5: memref<128x1024xf32, #tpu.memory_space<hbm>>, %arg6: memref<128x1024xf32, #tpu.memory_space<hbm>>, %arg7: memref<8xi32, #tpu.memory_space<vmem>>, %arg8: memref<8x1024xf32, #tpu.memory_space<vmem>>, %arg9: memref<8x1024xf32, #tpu.memory_space<vmem>>, %arg10: memref<!tpu.dma_semaphore, #tpu.memory_space<semaphore_mem>>) attributes {dimension_semantics = [#tpu.dimension_semantics<core_parallel>, #tpu.dimension_semantics<subcore_parallel>], iteration_bounds = array<i64: 2, 16>, scalar_prefetch = 0 : i64, scratch_operands = 4 : i64, tpu.core_type = #tpu.core_type<sc_vector_subcore>, window_params = [{transform_indices = #map}, {transform_indices = #map}, {transform_indices = #map1}, {transform_indices = #map}, {transform_indices = #map}]} {
    %mul3A = arith.constant 2 : i32
    %mul3A_0 = arith.muli %arg1, %mul3A : i32
    %add3A = arith.addi %mul3A_0, %arg0 : i32
    %lt3A = arith.constant 16 : i32
    %lt3A_1 = arith.cmpi slt, %add3A, %lt3A : i32
    %convert_element_type3A = arith.extui %lt3A_1 : i1 to i32
    %cond3A = arith.constant 0 : i32
    %cond3A_2 = arith.cmpi ne, %convert_element_type3A, %cond3A : i32
    scf.if %cond3A_2 {
      %mul3A_3 = arith.constant 8 : i32
      %mul3A_4 = arith.muli %add3A, %mul3A_3 : i32
      "tpu.region"() ({
        %run_scoped3A = tpu.sem_alloc : memref<!tpu.dma_semaphore, #tpu.memory_space<semaphore_mem>>
        %dma_start3A_15 = tpu.memref_slice %arg4[%mul3A_4] : memref<128xi32, #tpu.memory_space<hbm>> -> memref<8xi32, #tpu.memory_space<hbm>>
        %dma_start3A_16 = tpu.memref_slice %arg4[%mul3A_4] : memref<128xi32, #tpu.memory_space<hbm>> -> memref<8xi32, #tpu.memory_space<hbm>>
        tpu.enqueue_dma source(%dma_start3A_16 : memref<8xi32, #tpu.memory_space<hbm>>) target(%arg7 : memref<8xi32, #tpu.memory_space<vmem>>) target_semaphore(%run_scoped3A : memref<!tpu.dma_semaphore, #tpu.memory_space<semaphore_mem>>)
        %dma_wait3A_17 = tpu.memref_slice %arg4[%mul3A_4] : memref<128xi32, #tpu.memory_space<hbm>> -> memref<8xi32, #tpu.memory_space<hbm>>
        %dma_wait3A_18 = tpu.memref_slice %arg4[%mul3A_4] : memref<128xi32, #tpu.memory_space<hbm>> -> memref<8xi32, #tpu.memory_space<hbm>>
        tpu.wait_dma2 semaphore(%run_scoped3A : memref<!tpu.dma_semaphore, #tpu.memory_space<semaphore_mem>>) src(%dma_wait3A_18 : memref<8xi32, #tpu.memory_space<hbm>>) dst(%arg7 : memref<8xi32, #tpu.memory_space<vmem>>)
        tpu.yield
      }) : () -> ()
      %dma_start3A = arith.constant 0 : i32
      %dma_start3A_5 = arith.constant 0 : i32
      %dma_start3A_6 = tpu.memref_slice %arg2[%dma_start3A, %dma_start3A_5] : memref<2048x1024xf32, #tpu.memory_space<hbm>> -> memref<2048x1024xf32, #tpu.memory_space<hbm>>
      tpu.enqueue_indirect_dma source(%dma_start3A_6 : memref<2048x1024xf32, #tpu.memory_space<hbm>>) target(%arg8 : memref<8x1024xf32, #tpu.memory_space<vmem>>) offsets(%arg7 : memref<8xi32, #tpu.memory_space<vmem>>) semaphore(%arg10 : memref<!tpu.dma_semaphore, #tpu.memory_space<semaphore_mem>>)
      %dma_wait3A = arith.constant 0 : i32
      %dma_wait3A_7 = arith.constant 0 : i32
      %dma_wait3A_8 = tpu.memref_slice %arg2[%dma_wait3A, %dma_wait3A_7] : memref<2048x1024xf32, #tpu.memory_space<hbm>> -> memref<2048x1024xf32, #tpu.memory_space<hbm>>
      tpu.wait_indirect_dma semaphore(%arg10 : memref<!tpu.dma_semaphore, #tpu.memory_space<semaphore_mem>>) src(%dma_wait3A_8 : memref<2048x1024xf32, #tpu.memory_space<hbm>>) dst(%arg8 : memref<8x1024xf32, #tpu.memory_space<vmem>>)
      "tpu.region"() ({
        %run_scoped3A = tpu.sem_alloc : memref<!tpu.dma_semaphore, #tpu.memory_space<semaphore_mem>>
        %dma_start3A_15 = arith.constant 0 : i32
        %dma_start3A_16 = tpu.memref_slice %arg5[%mul3A_4, %dma_start3A_15] : memref<128x1024xf32, #tpu.memory_space<hbm>> -> memref<8x1024xf32, #tpu.memory_space<hbm>>
        %dma_start3A_17 = arith.constant 0 : i32
        %dma_start3A_18 = tpu.memref_slice %arg5[%mul3A_4, %dma_start3A_17] : memref<128x1024xf32, #tpu.memory_space<hbm>> -> memref<8x1024xf32, #tpu.memory_space<hbm>>
        tpu.enqueue_dma source(%arg8 : memref<8x1024xf32, #tpu.memory_space<vmem>>) target(%dma_start3A_18 : memref<8x1024xf32, #tpu.memory_space<hbm>>) target_semaphore(%run_scoped3A : memref<!tpu.dma_semaphore, #tpu.memory_space<semaphore_mem>>)
        %dma_wait3A_19 = arith.constant 0 : i32
        %dma_wait3A_20 = tpu.memref_slice %arg5[%mul3A_4, %dma_wait3A_19] : memref<128x1024xf32, #tpu.memory_space<hbm>> -> memref<8x1024xf32, #tpu.memory_space<hbm>>
        %dma_wait3A_21 = arith.constant 0 : i32
        %dma_wait3A_22 = tpu.memref_slice %arg5[%mul3A_4, %dma_wait3A_21] : memref<128x1024xf32, #tpu.memory_space<hbm>> -> memref<8x1024xf32, #tpu.memory_space<hbm>>
        tpu.wait_dma2 semaphore(%run_scoped3A : memref<!tpu.dma_semaphore, #tpu.memory_space<semaphore_mem>>) src(%arg8 : memref<8x1024xf32, #tpu.memory_space<vmem>>) dst(%dma_wait3A_22 : memref<8x1024xf32, #tpu.memory_space<hbm>>)
        tpu.yield
      }) : () -> ()
      %dma_start3A_9 = arith.constant 0 : i32
      %dma_start3A_10 = arith.constant 0 : i32
      %dma_start3A_11 = tpu.memref_slice %arg3[%dma_start3A_9, %dma_start3A_10] : memref<2048x1024xf32, #tpu.memory_space<hbm>> -> memref<2048x1024xf32, #tpu.memory_space<hbm>>
      tpu.enqueue_indirect_dma source(%dma_start3A_11 : memref<2048x1024xf32, #tpu.memory_space<hbm>>) target(%arg9 : memref<8x1024xf32, #tpu.memory_space<vmem>>) offsets(%arg7 : memref<8xi32, #tpu.memory_space<vmem>>) semaphore(%arg10 : memref<!tpu.dma_semaphore, #tpu.memory_space<semaphore_mem>>)
      %dma_wait3A_12 = arith.constant 0 : i32
      %dma_wait3A_13 = arith.constant 0 : i32
      %dma_wait3A_14 = tpu.memref_slice %arg3[%dma_wait3A_12, %dma_wait3A_13] : memref<2048x1024xf32, #tpu.memory_space<hbm>> -> memref<2048x1024xf32, #tpu.memory_space<hbm>>
      tpu.wait_indirect_dma semaphore(%arg10 : memref<!tpu.dma_semaphore, #tpu.memory_space<semaphore_mem>>) src(%dma_wait3A_14 : memref<2048x1024xf32, #tpu.memory_space<hbm>>) dst(%arg9 : memref<8x1024xf32, #tpu.memory_space<vmem>>)
      "tpu.region"() ({
        %run_scoped3A = tpu.sem_alloc : memref<!tpu.dma_semaphore, #tpu.memory_space<semaphore_mem>>
        %dma_start3A_15 = arith.constant 0 : i32
        %dma_start3A_16 = tpu.memref_slice %arg6[%mul3A_4, %dma_start3A_15] : memref<128x1024xf32, #tpu.memory_space<hbm>> -> memref<8x1024xf32, #tpu.memory_space<hbm>>
        %dma_start3A_17 = arith.constant 0 : i32
        %dma_start3A_18 = tpu.memref_slice %arg6[%mul3A_4, %dma_start3A_17] : memref<128x1024xf32, #tpu.memory_space<hbm>> -> memref<8x1024xf32, #tpu.memory_space<hbm>>
        tpu.enqueue_dma source(%arg9 : memref<8x1024xf32, #tpu.memory_space<vmem>>) target(%dma_start3A_18 : memref<8x1024xf32, #tpu.memory_space<hbm>>) target_semaphore(%run_scoped3A : memref<!tpu.dma_semaphore, #tpu.memory_space<semaphore_mem>>)
        %dma_wait3A_19 = arith.constant 0 : i32
        %dma_wait3A_20 = tpu.memref_slice %arg6[%mul3A_4, %dma_wait3A_19] : memref<128x1024xf32, #tpu.memory_space<hbm>> -> memref<8x1024xf32, #tpu.memory_space<hbm>>
        %dma_wait3A_21 = arith.constant 0 : i32
        %dma_wait3A_22 = tpu.memref_slice %arg6[%mul3A_4, %dma_wait3A_21] : memref<128x1024xf32, #tpu.memory_space<hbm>> -> memref<8x1024xf32, #tpu.memory_space<hbm>>
        tpu.wait_dma2 semaphore(%run_scoped3A : memref<!tpu.dma_semaphore, #tpu.memory_space<semaphore_mem>>) src(%arg9 : memref<8x1024xf32, #tpu.memory_space<vmem>>) dst(%dma_wait3A_22 : memref<8x1024xf32, #tpu.memory_space<hbm>>)
        tpu.yield
      }) : () -> ()
    } else {
    }
    return
  }
}

module attributes {stable_mosaic.version = 14 : i64} {
  func.func @_attn_body(%arg0: i32, %arg1: i32, %arg2: memref<1x1024x1024xf32, #tpu.memory_space<vmem>>, %arg3: memref<1x64x1024xf32, #tpu.memory_space<vmem>>, %arg4: memref<1x64x1024xf32, #tpu.memory_space<vmem>>, %arg5: memref<1024x1024xbf16, #tpu.memory_space<vmem>>, %arg6: memref<1x1024x1024xf32, #tpu.memory_space<vmem>>) attributes {dimension_semantics = [#tpu.dimension_semantics<arbitrary>, #tpu.dimension_semantics<arbitrary>], iteration_bounds = array<i64: 2, 4>, scalar_prefetch = 0 : i64, scratch_operands = 0 : i64, tpu.core_type = #tpu.core_type<tc>, window_params = [{transform_indices = @transform_0, window_bounds = array<i64: 1, 1024, 1024>}, {transform_indices = @transform_1, window_bounds = array<i64: 1, 64, 1024>}, {transform_indices = @transform_2, window_bounds = array<i64: 1, 64, 1024>}, {pipeline_mode = #tpu.pipeline_mode<synchronous>, transform_indices = @transform_3, window_bounds = array<i64: 1024, 1024>}, {transform_indices = @transform_4, window_bounds = array<i64: 1, 1024, 1024>}]} {
    %get3A = arith.constant 0 : index
    %get3A_0 = arith.constant 0 : index
    %get3A_1 = arith.constant 0 : index
    %get3A_2 = vector.load %arg2[%get3A, %get3A_0, %get3A_1] : memref<1x1024x1024xf32, #tpu.memory_space<vmem>>, vector<1x1024x1024xf32>
    %get3A_3 = vector.shape_cast %get3A_2 : vector<1x1024x1024xf32> to vector<1024x1024xf32>
    %convert_element_type3A = arith.truncf %get3A_3 : vector<1024x1024xf32> to vector<1024x1024xbf16>
    %get3A_4 = arith.constant 0 : index
    %get3A_5 = arith.constant 0 : index
    %get3A_6 = arith.constant 0 : index
    %get3A_7 = vector.load %arg3[%get3A_4, %get3A_5, %get3A_6] : memref<1x64x1024xf32, #tpu.memory_space<vmem>>, vector<1x64x1024xf32>
    %get3A_8 = vector.shape_cast %get3A_7 : vector<1x64x1024xf32> to vector<64x1024xf32>
    %convert_element_type3A_9 = arith.truncf %get3A_8 : vector<64x1024xf32> to vector<64x1024xbf16>
    %get3A_10 = arith.constant 0 : index
    %get3A_11 = arith.constant 0 : index
    %get3A_12 = arith.constant 0 : index
    %get3A_13 = vector.load %arg4[%get3A_10, %get3A_11, %get3A_12] : memref<1x64x1024xf32, #tpu.memory_space<vmem>>, vector<1x64x1024xf32>
    %get3A_14 = vector.shape_cast %get3A_13 : vector<1x64x1024xf32> to vector<64x1024xf32>
    %convert_element_type3A_15 = arith.truncf %get3A_14 : vector<64x1024xf32> to vector<64x1024xbf16>
    %slice3A = vector.extract_strided_slice %convert_element_type3A {offsets = [0, 0], sizes = [1024, 64], strides = [1, 1]} : vector<1024x1024xbf16> to vector<1024x64xbf16>
    %slice3A_16 = vector.extract_strided_slice %convert_element_type3A_9 {offsets = [0, 0], sizes = [64, 64], strides = [1, 1]} : vector<64x1024xbf16> to vector<64x64xbf16>
    %slice3A_17 = vector.extract_strided_slice %convert_element_type3A_15 {offsets = [0, 0], sizes = [64, 64], strides = [1, 1]} : vector<64x1024xbf16> to vector<64x64xbf16>
    %dot_general3A = arith.constant dense<0.000000e+00> : vector<1024x64xf32>
    %dot_general3A_18 = tpu.matmul %slice3A, %slice3A_16, %dot_general3A {dimension_numbers = #tpu.dot_dimension_numbers<[1], [1], [0], [0], [0, 0, 1, 0], [], []>, transpose_lhs_hint = false} : vector<1024x64xbf16>, vector<64x64xbf16>, vector<1024x64xf32> -> vector<1024x64xf32>
    %mul3A = arith.constant 1.250000e-01 : f32
    %mul3A_19 = vector.broadcast %mul3A : f32 to vector<1024x64xf32>
    %mul3A_20 = arith.mulf %dot_general3A_18, %mul3A_19 : vector<1024x64xf32>
    %reduce_max3A = arith.constant dense<0xFF800000> : vector<1024xf32>
    %reduce_max3A_21 = vector.multi_reduction <maximumf>, %mul3A_20, %reduce_max3A [1] : vector<1024x64xf32> to vector<1024xf32>
    %broadcast_in_dim3A = vector.shape_cast %reduce_max3A_21 : vector<1024xf32> to vector<1024x1xf32>
    %sub3A = vector.broadcast %broadcast_in_dim3A : vector<1024x1xf32> to vector<1024x64xf32>
    %sub3A_22 = arith.subf %mul3A_20, %sub3A : vector<1024x64xf32>
    %exp3A = math.exp %sub3A_22 : vector<1024x64xf32>
    %reduce_sum3A = arith.constant dense<0.000000e+00> : vector<1024xf32>
    %reduce_sum3A_23 = vector.multi_reduction <add>, %exp3A, %reduce_sum3A [1] : vector<1024x64xf32> to vector<1024xf32>
    %broadcast_in_dim3A_24 = vector.shape_cast %reduce_sum3A_23 : vector<1024xf32> to vector<1024x1xf32>
    %div3A = vector.broadcast %broadcast_in_dim3A_24 : vector<1024x1xf32> to vector<1024x64xf32>
    %div3A_25 = arith.divf %exp3A, %div3A : vector<1024x64xf32>
    %convert_element_type3A_26 = arith.truncf %div3A_25 : vector<1024x64xf32> to vector<1024x64xbf16>
    %dot_general3A_27 = arith.constant dense<0.000000e+00> : vector<1024x64xf32>
    %dot_general3A_28 = tpu.matmul %convert_element_type3A_26, %slice3A_17, %dot_general3A_27 {dimension_numbers = #tpu.dot_dimension_numbers<[1], [0], [0], [1], [0, 0, 1, 1], [], []>, transpose_lhs_hint = false} : vector<1024x64xbf16>, vector<64x64xbf16>, vector<1024x64xf32> -> vector<1024x64xf32>
    %slice3A_29 = vector.extract_strided_slice %convert_element_type3A {offsets = [0, 64], sizes = [1024, 64], strides = [1, 1]} : vector<1024x1024xbf16> to vector<1024x64xbf16>
    %slice3A_30 = vector.extract_strided_slice %convert_element_type3A_9 {offsets = [0, 64], sizes = [64, 64], strides = [1, 1]} : vector<64x1024xbf16> to vector<64x64xbf16>
    %slice3A_31 = vector.extract_strided_slice %convert_element_type3A_15 {offsets = [0, 64], sizes = [64, 64], strides = [1, 1]} : vector<64x1024xbf16> to vector<64x64xbf16>
    %dot_general3A_32 = arith.constant dense<0.000000e+00> : vector<1024x64xf32>
    %dot_general3A_33 = tpu.matmul %slice3A_29, %slice3A_30, %dot_general3A_32 {dimension_numbers = #tpu.dot_dimension_numbers<[1], [1], [0], [0], [0, 0, 1, 0], [], []>, transpose_lhs_hint = false} : vector<1024x64xbf16>, vector<64x64xbf16>, vector<1024x64xf32> -> vector<1024x64xf32>
    %mul3A_34 = arith.constant 1.250000e-01 : f32
    %mul3A_35 = vector.broadcast %mul3A_34 : f32 to vector<1024x64xf32>
    %mul3A_36 = arith.mulf %dot_general3A_33, %mul3A_35 : vector<1024x64xf32>
    %reduce_max3A_37 = arith.constant dense<0xFF800000> : vector<1024xf32>
    %reduce_max3A_38 = vector.multi_reduction <maximumf>, %mul3A_36, %reduce_max3A_37 [1] : vector<1024x64xf32> to vector<1024xf32>
    %broadcast_in_dim3A_39 = vector.shape_cast %reduce_max3A_38 : vector<1024xf32> to vector<1024x1xf32>
    %sub3A_40 = vector.broadcast %broadcast_in_dim3A_39 : vector<1024x1xf32> to vector<1024x64xf32>
    %sub3A_41 = arith.subf %mul3A_36, %sub3A_40 : vector<1024x64xf32>
    %exp3A_42 = math.exp %sub3A_41 : vector<1024x64xf32>
    %reduce_sum3A_43 = arith.constant dense<0.000000e+00> : vector<1024xf32>
    %reduce_sum3A_44 = vector.multi_reduction <add>, %exp3A_42, %reduce_sum3A_43 [1] : vector<1024x64xf32> to vector<1024xf32>
    %broadcast_in_dim3A_45 = vector.shape_cast %reduce_sum3A_44 : vector<1024xf32> to vector<1024x1xf32>
    %div3A_46 = vector.broadcast %broadcast_in_dim3A_45 : vector<1024x1xf32> to vector<1024x64xf32>
    %div3A_47 = arith.divf %exp3A_42, %div3A_46 : vector<1024x64xf32>
    %convert_element_type3A_48 = arith.truncf %div3A_47 : vector<1024x64xf32> to vector<1024x64xbf16>
    %dot_general3A_49 = arith.constant dense<0.000000e+00> : vector<1024x64xf32>
    %dot_general3A_50 = tpu.matmul %convert_element_type3A_48, %slice3A_31, %dot_general3A_49 {dimension_numbers = #tpu.dot_dimension_numbers<[1], [0], [0], [1], [0, 0, 1, 1], [], []>, transpose_lhs_hint = false} : vector<1024x64xbf16>, vector<64x64xbf16>, vector<1024x64xf32> -> vector<1024x64xf32>
    %slice3A_51 = vector.extract_strided_slice %convert_element_type3A {offsets = [0, 128], sizes = [1024, 64], strides = [1, 1]} : vector<1024x1024xbf16> to vector<1024x64xbf16>
    %slice3A_52 = vector.extract_strided_slice %convert_element_type3A_9 {offsets = [0, 128], sizes = [64, 64], strides = [1, 1]} : vector<64x1024xbf16> to vector<64x64xbf16>
    %slice3A_53 = vector.extract_strided_slice %convert_element_type3A_15 {offsets = [0, 128], sizes = [64, 64], strides = [1, 1]} : vector<64x1024xbf16> to vector<64x64xbf16>
    %dot_general3A_54 = arith.constant dense<0.000000e+00> : vector<1024x64xf32>
    %dot_general3A_55 = tpu.matmul %slice3A_51, %slice3A_52, %dot_general3A_54 {dimension_numbers = #tpu.dot_dimension_numbers<[1], [1], [0], [0], [0, 0, 1, 0], [], []>, transpose_lhs_hint = false} : vector<1024x64xbf16>, vector<64x64xbf16>, vector<1024x64xf32> -> vector<1024x64xf32>
    %mul3A_56 = arith.constant 1.250000e-01 : f32
    %mul3A_57 = vector.broadcast %mul3A_56 : f32 to vector<1024x64xf32>
    %mul3A_58 = arith.mulf %dot_general3A_55, %mul3A_57 : vector<1024x64xf32>
    %reduce_max3A_59 = arith.constant dense<0xFF800000> : vector<1024xf32>
    %reduce_max3A_60 = vector.multi_reduction <maximumf>, %mul3A_58, %reduce_max3A_59 [1] : vector<1024x64xf32> to vector<1024xf32>
    %broadcast_in_dim3A_61 = vector.shape_cast %reduce_max3A_60 : vector<1024xf32> to vector<1024x1xf32>
    %sub3A_62 = vector.broadcast %broadcast_in_dim3A_61 : vector<1024x1xf32> to vector<1024x64xf32>
    %sub3A_63 = arith.subf %mul3A_58, %sub3A_62 : vector<1024x64xf32>
    %exp3A_64 = math.exp %sub3A_63 : vector<1024x64xf32>
    %reduce_sum3A_65 = arith.constant dense<0.000000e+00> : vector<1024xf32>
    %reduce_sum3A_66 = vector.multi_reduction <add>, %exp3A_64, %reduce_sum3A_65 [1] : vector<1024x64xf32> to vector<1024xf32>
    %broadcast_in_dim3A_67 = vector.shape_cast %reduce_sum3A_66 : vector<1024xf32> to vector<1024x1xf32>
    %div3A_68 = vector.broadcast %broadcast_in_dim3A_67 : vector<1024x1xf32> to vector<1024x64xf32>
    %div3A_69 = arith.divf %exp3A_64, %div3A_68 : vector<1024x64xf32>
    %convert_element_type3A_70 = arith.truncf %div3A_69 : vector<1024x64xf32> to vector<1024x64xbf16>
    %dot_general3A_71 = arith.constant dense<0.000000e+00> : vector<1024x64xf32>
    %dot_general3A_72 = tpu.matmul %convert_element_type3A_70, %slice3A_53, %dot_general3A_71 {dimension_numbers = #tpu.dot_dimension_numbers<[1], [0], [0], [1], [0, 0, 1, 1], [], []>, transpose_lhs_hint = false} : vector<1024x64xbf16>, vector<64x64xbf16>, vector<1024x64xf32> -> vector<1024x64xf32>
    %slice3A_73 = vector.extract_strided_slice %convert_element_type3A {offsets = [0, 192], sizes = [1024, 64], strides = [1, 1]} : vector<1024x1024xbf16> to vector<1024x64xbf16>
    %slice3A_74 = vector.extract_strided_slice %convert_element_type3A_9 {offsets = [0, 192], sizes = [64, 64], strides = [1, 1]} : vector<64x1024xbf16> to vector<64x64xbf16>
    %slice3A_75 = vector.extract_strided_slice %convert_element_type3A_15 {offsets = [0, 192], sizes = [64, 64], strides = [1, 1]} : vector<64x1024xbf16> to vector<64x64xbf16>
    %dot_general3A_76 = arith.constant dense<0.000000e+00> : vector<1024x64xf32>
    %dot_general3A_77 = tpu.matmul %slice3A_73, %slice3A_74, %dot_general3A_76 {dimension_numbers = #tpu.dot_dimension_numbers<[1], [1], [0], [0], [0, 0, 1, 0], [], []>, transpose_lhs_hint = false} : vector<1024x64xbf16>, vector<64x64xbf16>, vector<1024x64xf32> -> vector<1024x64xf32>
    %mul3A_78 = arith.constant 1.250000e-01 : f32
    %mul3A_79 = vector.broadcast %mul3A_78 : f32 to vector<1024x64xf32>
    %mul3A_80 = arith.mulf %dot_general3A_77, %mul3A_79 : vector<1024x64xf32>
    %reduce_max3A_81 = arith.constant dense<0xFF800000> : vector<1024xf32>
    %reduce_max3A_82 = vector.multi_reduction <maximumf>, %mul3A_80, %reduce_max3A_81 [1] : vector<1024x64xf32> to vector<1024xf32>
    %broadcast_in_dim3A_83 = vector.shape_cast %reduce_max3A_82 : vector<1024xf32> to vector<1024x1xf32>
    %sub3A_84 = vector.broadcast %broadcast_in_dim3A_83 : vector<1024x1xf32> to vector<1024x64xf32>
    %sub3A_85 = arith.subf %mul3A_80, %sub3A_84 : vector<1024x64xf32>
    %exp3A_86 = math.exp %sub3A_85 : vector<1024x64xf32>
    %reduce_sum3A_87 = arith.constant dense<0.000000e+00> : vector<1024xf32>
    %reduce_sum3A_88 = vector.multi_reduction <add>, %exp3A_86, %reduce_sum3A_87 [1] : vector<1024x64xf32> to vector<1024xf32>
    %broadcast_in_dim3A_89 = vector.shape_cast %reduce_sum3A_88 : vector<1024xf32> to vector<1024x1xf32>
    %div3A_90 = vector.broadcast %broadcast_in_dim3A_89 : vector<1024x1xf32> to vector<1024x64xf32>
    %div3A_91 = arith.divf %exp3A_86, %div3A_90 : vector<1024x64xf32>
    %convert_element_type3A_92 = arith.truncf %div3A_91 : vector<1024x64xf32> to vector<1024x64xbf16>
    %dot_general3A_93 = arith.constant dense<0.000000e+00> : vector<1024x64xf32>
    %dot_general3A_94 = tpu.matmul %convert_element_type3A_92, %slice3A_75, %dot_general3A_93 {dimension_numbers = #tpu.dot_dimension_numbers<[1], [0], [0], [1], [0, 0, 1, 1], [], []>, transpose_lhs_hint = false} : vector<1024x64xbf16>, vector<64x64xbf16>, vector<1024x64xf32> -> vector<1024x64xf32>
    %slice3A_95 = vector.extract_strided_slice %convert_element_type3A {offsets = [0, 256], sizes = [1024, 64], strides = [1, 1]} : vector<1024x1024xbf16> to vector<1024x64xbf16>
    %slice3A_96 = vector.extract_strided_slice %convert_element_type3A_9 {offsets = [0, 256], sizes = [64, 64], strides = [1, 1]} : vector<64x1024xbf16> to vector<64x64xbf16>
    %slice3A_97 = vector.extract_strided_slice %convert_element_type3A_15 {offsets = [0, 256], sizes = [64, 64], strides = [1, 1]} : vector<64x1024xbf16> to vector<64x64xbf16>
    %dot_general3A_98 = arith.constant dense<0.000000e+00> : vector<1024x64xf32>
    %dot_general3A_99 = tpu.matmul %slice3A_95, %slice3A_96, %dot_general3A_98 {dimension_numbers = #tpu.dot_dimension_numbers<[1], [1], [0], [0], [0, 0, 1, 0], [], []>, transpose_lhs_hint = false} : vector<1024x64xbf16>, vector<64x64xbf16>, vector<1024x64xf32> -> vector<1024x64xf32>
    %mul3A_100 = arith.constant 1.250000e-01 : f32
    %mul3A_101 = vector.broadcast %mul3A_100 : f32 to vector<1024x64xf32>
    %mul3A_102 = arith.mulf %dot_general3A_99, %mul3A_101 : vector<1024x64xf32>
    %reduce_max3A_103 = arith.constant dense<0xFF800000> : vector<1024xf32>
    %reduce_max3A_104 = vector.multi_reduction <maximumf>, %mul3A_102, %reduce_max3A_103 [1] : vector<1024x64xf32> to vector<1024xf32>
    %broadcast_in_dim3A_105 = vector.shape_cast %reduce_max3A_104 : vector<1024xf32> to vector<1024x1xf32>
    %sub3A_106 = vector.broadcast %broadcast_in_dim3A_105 : vector<1024x1xf32> to vector<1024x64xf32>
    %sub3A_107 = arith.subf %mul3A_102, %sub3A_106 : vector<1024x64xf32>
    %exp3A_108 = math.exp %sub3A_107 : vector<1024x64xf32>
    %reduce_sum3A_109 = arith.constant dense<0.000000e+00> : vector<1024xf32>
    %reduce_sum3A_110 = vector.multi_reduction <add>, %exp3A_108, %reduce_sum3A_109 [1] : vector<1024x64xf32> to vector<1024xf32>
    %broadcast_in_dim3A_111 = vector.shape_cast %reduce_sum3A_110 : vector<1024xf32> to vector<1024x1xf32>
    %div3A_112 = vector.broadcast %broadcast_in_dim3A_111 : vector<1024x1xf32> to vector<1024x64xf32>
    %div3A_113 = arith.divf %exp3A_108, %div3A_112 : vector<1024x64xf32>
    %convert_element_type3A_114 = arith.truncf %div3A_113 : vector<1024x64xf32> to vector<1024x64xbf16>
    %dot_general3A_115 = arith.constant dense<0.000000e+00> : vector<1024x64xf32>
    %dot_general3A_116 = tpu.matmul %convert_element_type3A_114, %slice3A_97, %dot_general3A_115 {dimension_numbers = #tpu.dot_dimension_numbers<[1], [0], [0], [1], [0, 0, 1, 1], [], []>, transpose_lhs_hint = false} : vector<1024x64xbf16>, vector<64x64xbf16>, vector<1024x64xf32> -> vector<1024x64xf32>
    %slice3A_117 = vector.extract_strided_slice %convert_element_type3A {offsets = [0, 320], sizes = [1024, 64], strides = [1, 1]} : vector<1024x1024xbf16> to vector<1024x64xbf16>
    %slice3A_118 = vector.extract_strided_slice %convert_element_type3A_9 {offsets = [0, 320], sizes = [64, 64], strides = [1, 1]} : vector<64x1024xbf16> to vector<64x64xbf16>
    %slice3A_119 = vector.extract_strided_slice %convert_element_type3A_15 {offsets = [0, 320], sizes = [64, 64], strides = [1, 1]} : vector<64x1024xbf16> to vector<64x64xbf16>
    %dot_general3A_120 = arith.constant dense<0.000000e+00> : vector<1024x64xf32>
    %dot_general3A_121 = tpu.matmul %slice3A_117, %slice3A_118, %dot_general3A_120 {dimension_numbers = #tpu.dot_dimension_numbers<[1], [1], [0], [0], [0, 0, 1, 0], [], []>, transpose_lhs_hint = false} : vector<1024x64xbf16>, vector<64x64xbf16>, vector<1024x64xf32> -> vector<1024x64xf32>
    %mul3A_122 = arith.constant 1.250000e-01 : f32
    %mul3A_123 = vector.broadcast %mul3A_122 : f32 to vector<1024x64xf32>
    %mul3A_124 = arith.mulf %dot_general3A_121, %mul3A_123 : vector<1024x64xf32>
    %reduce_max3A_125 = arith.constant dense<0xFF800000> : vector<1024xf32>
    %reduce_max3A_126 = vector.multi_reduction <maximumf>, %mul3A_124, %reduce_max3A_125 [1] : vector<1024x64xf32> to vector<1024xf32>
    %broadcast_in_dim3A_127 = vector.shape_cast %reduce_max3A_126 : vector<1024xf32> to vector<1024x1xf32>
    %sub3A_128 = vector.broadcast %broadcast_in_dim3A_127 : vector<1024x1xf32> to vector<1024x64xf32>
    %sub3A_129 = arith.subf %mul3A_124, %sub3A_128 : vector<1024x64xf32>
    %exp3A_130 = math.exp %sub3A_129 : vector<1024x64xf32>
    %reduce_sum3A_131 = arith.constant dense<0.000000e+00> : vector<1024xf32>
    %reduce_sum3A_132 = vector.multi_reduction <add>, %exp3A_130, %reduce_sum3A_131 [1] : vector<1024x64xf32> to vector<1024xf32>
    %broadcast_in_dim3A_133 = vector.shape_cast %reduce_sum3A_132 : vector<1024xf32> to vector<1024x1xf32>
    %div3A_134 = vector.broadcast %broadcast_in_dim3A_133 : vector<1024x1xf32> to vector<1024x64xf32>
    %div3A_135 = arith.divf %exp3A_130, %div3A_134 : vector<1024x64xf32>
    %convert_element_type3A_136 = arith.truncf %div3A_135 : vector<1024x64xf32> to vector<1024x64xbf16>
    %dot_general3A_137 = arith.constant dense<0.000000e+00> : vector<1024x64xf32>
    %dot_general3A_138 = tpu.matmul %convert_element_type3A_136, %slice3A_119, %dot_general3A_137 {dimension_numbers = #tpu.dot_dimension_numbers<[1], [0], [0], [1], [0, 0, 1, 1], [], []>, transpose_lhs_hint = false} : vector<1024x64xbf16>, vector<64x64xbf16>, vector<1024x64xf32> -> vector<1024x64xf32>
    %slice3A_139 = vector.extract_strided_slice %convert_element_type3A {offsets = [0, 384], sizes = [1024, 64], strides = [1, 1]} : vector<1024x1024xbf16> to vector<1024x64xbf16>
    %slice3A_140 = vector.extract_strided_slice %convert_element_type3A_9 {offsets = [0, 384], sizes = [64, 64], strides = [1, 1]} : vector<64x1024xbf16> to vector<64x64xbf16>
    %slice3A_141 = vector.extract_strided_slice %convert_element_type3A_15 {offsets = [0, 384], sizes = [64, 64], strides = [1, 1]} : vector<64x1024xbf16> to vector<64x64xbf16>
    %dot_general3A_142 = arith.constant dense<0.000000e+00> : vector<1024x64xf32>
    %dot_general3A_143 = tpu.matmul %slice3A_139, %slice3A_140, %dot_general3A_142 {dimension_numbers = #tpu.dot_dimension_numbers<[1], [1], [0], [0], [0, 0, 1, 0], [], []>, transpose_lhs_hint = false} : vector<1024x64xbf16>, vector<64x64xbf16>, vector<1024x64xf32> -> vector<1024x64xf32>
    %mul3A_144 = arith.constant 1.250000e-01 : f32
    %mul3A_145 = vector.broadcast %mul3A_144 : f32 to vector<1024x64xf32>
    %mul3A_146 = arith.mulf %dot_general3A_143, %mul3A_145 : vector<1024x64xf32>
    %reduce_max3A_147 = arith.constant dense<0xFF800000> : vector<1024xf32>
    %reduce_max3A_148 = vector.multi_reduction <maximumf>, %mul3A_146, %reduce_max3A_147 [1] : vector<1024x64xf32> to vector<1024xf32>
    %broadcast_in_dim3A_149 = vector.shape_cast %reduce_max3A_148 : vector<1024xf32> to vector<1024x1xf32>
    %sub3A_150 = vector.broadcast %broadcast_in_dim3A_149 : vector<1024x1xf32> to vector<1024x64xf32>
    %sub3A_151 = arith.subf %mul3A_146, %sub3A_150 : vector<1024x64xf32>
    %exp3A_152 = math.exp %sub3A_151 : vector<1024x64xf32>
    %reduce_sum3A_153 = arith.constant dense<0.000000e+00> : vector<1024xf32>
    %reduce_sum3A_154 = vector.multi_reduction <add>, %exp3A_152, %reduce_sum3A_153 [1] : vector<1024x64xf32> to vector<1024xf32>
    %broadcast_in_dim3A_155 = vector.shape_cast %reduce_sum3A_154 : vector<1024xf32> to vector<1024x1xf32>
    %div3A_156 = vector.broadcast %broadcast_in_dim3A_155 : vector<1024x1xf32> to vector<1024x64xf32>
    %div3A_157 = arith.divf %exp3A_152, %div3A_156 : vector<1024x64xf32>
    %convert_element_type3A_158 = arith.truncf %div3A_157 : vector<1024x64xf32> to vector<1024x64xbf16>
    %dot_general3A_159 = arith.constant dense<0.000000e+00> : vector<1024x64xf32>
    %dot_general3A_160 = tpu.matmul %convert_element_type3A_158, %slice3A_141, %dot_general3A_159 {dimension_numbers = #tpu.dot_dimension_numbers<[1], [0], [0], [1], [0, 0, 1, 1], [], []>, transpose_lhs_hint = false} : vector<1024x64xbf16>, vector<64x64xbf16>, vector<1024x64xf32> -> vector<1024x64xf32>
    %slice3A_161 = vector.extract_strided_slice %convert_element_type3A {offsets = [0, 448], sizes = [1024, 64], strides = [1, 1]} : vector<1024x1024xbf16> to vector<1024x64xbf16>
    %slice3A_162 = vector.extract_strided_slice %convert_element_type3A_9 {offsets = [0, 448], sizes = [64, 64], strides = [1, 1]} : vector<64x1024xbf16> to vector<64x64xbf16>
    %slice3A_163 = vector.extract_strided_slice %convert_element_type3A_15 {offsets = [0, 448], sizes = [64, 64], strides = [1, 1]} : vector<64x1024xbf16> to vector<64x64xbf16>
    %dot_general3A_164 = arith.constant dense<0.000000e+00> : vector<1024x64xf32>
    %dot_general3A_165 = tpu.matmul %slice3A_161, %slice3A_162, %dot_general3A_164 {dimension_numbers = #tpu.dot_dimension_numbers<[1], [1], [0], [0], [0, 0, 1, 0], [], []>, transpose_lhs_hint = false} : vector<1024x64xbf16>, vector<64x64xbf16>, vector<1024x64xf32> -> vector<1024x64xf32>
    %mul3A_166 = arith.constant 1.250000e-01 : f32
    %mul3A_167 = vector.broadcast %mul3A_166 : f32 to vector<1024x64xf32>
    %mul3A_168 = arith.mulf %dot_general3A_165, %mul3A_167 : vector<1024x64xf32>
    %reduce_max3A_169 = arith.constant dense<0xFF800000> : vector<1024xf32>
    %reduce_max3A_170 = vector.multi_reduction <maximumf>, %mul3A_168, %reduce_max3A_169 [1] : vector<1024x64xf32> to vector<1024xf32>
    %broadcast_in_dim3A_171 = vector.shape_cast %reduce_max3A_170 : vector<1024xf32> to vector<1024x1xf32>
    %sub3A_172 = vector.broadcast %broadcast_in_dim3A_171 : vector<1024x1xf32> to vector<1024x64xf32>
    %sub3A_173 = arith.subf %mul3A_168, %sub3A_172 : vector<1024x64xf32>
    %exp3A_174 = math.exp %sub3A_173 : vector<1024x64xf32>
    %reduce_sum3A_175 = arith.constant dense<0.000000e+00> : vector<1024xf32>
    %reduce_sum3A_176 = vector.multi_reduction <add>, %exp3A_174, %reduce_sum3A_175 [1] : vector<1024x64xf32> to vector<1024xf32>
    %broadcast_in_dim3A_177 = vector.shape_cast %reduce_sum3A_176 : vector<1024xf32> to vector<1024x1xf32>
    %div3A_178 = vector.broadcast %broadcast_in_dim3A_177 : vector<1024x1xf32> to vector<1024x64xf32>
    %div3A_179 = arith.divf %exp3A_174, %div3A_178 : vector<1024x64xf32>
    %convert_element_type3A_180 = arith.truncf %div3A_179 : vector<1024x64xf32> to vector<1024x64xbf16>
    %dot_general3A_181 = arith.constant dense<0.000000e+00> : vector<1024x64xf32>
    %dot_general3A_182 = tpu.matmul %convert_element_type3A_180, %slice3A_163, %dot_general3A_181 {dimension_numbers = #tpu.dot_dimension_numbers<[1], [0], [0], [1], [0, 0, 1, 1], [], []>, transpose_lhs_hint = false} : vector<1024x64xbf16>, vector<64x64xbf16>, vector<1024x64xf32> -> vector<1024x64xf32>
    %slice3A_183 = vector.extract_strided_slice %convert_element_type3A {offsets = [0, 512], sizes = [1024, 64], strides = [1, 1]} : vector<1024x1024xbf16> to vector<1024x64xbf16>
    %slice3A_184 = vector.extract_strided_slice %convert_element_type3A_9 {offsets = [0, 512], sizes = [64, 64], strides = [1, 1]} : vector<64x1024xbf16> to vector<64x64xbf16>
    %slice3A_185 = vector.extract_strided_slice %convert_element_type3A_15 {offsets = [0, 512], sizes = [64, 64], strides = [1, 1]} : vector<64x1024xbf16> to vector<64x64xbf16>
    %dot_general3A_186 = arith.constant dense<0.000000e+00> : vector<1024x64xf32>
    %dot_general3A_187 = tpu.matmul %slice3A_183, %slice3A_184, %dot_general3A_186 {dimension_numbers = #tpu.dot_dimension_numbers<[1], [1], [0], [0], [0, 0, 1, 0], [], []>, transpose_lhs_hint = false} : vector<1024x64xbf16>, vector<64x64xbf16>, vector<1024x64xf32> -> vector<1024x64xf32>
    %mul3A_188 = arith.constant 1.250000e-01 : f32
    %mul3A_189 = vector.broadcast %mul3A_188 : f32 to vector<1024x64xf32>
    %mul3A_190 = arith.mulf %dot_general3A_187, %mul3A_189 : vector<1024x64xf32>
    %reduce_max3A_191 = arith.constant dense<0xFF800000> : vector<1024xf32>
    %reduce_max3A_192 = vector.multi_reduction <maximumf>, %mul3A_190, %reduce_max3A_191 [1] : vector<1024x64xf32> to vector<1024xf32>
    %broadcast_in_dim3A_193 = vector.shape_cast %reduce_max3A_192 : vector<1024xf32> to vector<1024x1xf32>
    %sub3A_194 = vector.broadcast %broadcast_in_dim3A_193 : vector<1024x1xf32> to vector<1024x64xf32>
    %sub3A_195 = arith.subf %mul3A_190, %sub3A_194 : vector<1024x64xf32>
    %exp3A_196 = math.exp %sub3A_195 : vector<1024x64xf32>
    %reduce_sum3A_197 = arith.constant dense<0.000000e+00> : vector<1024xf32>
    %reduce_sum3A_198 = vector.multi_reduction <add>, %exp3A_196, %reduce_sum3A_197 [1] : vector<1024x64xf32> to vector<1024xf32>
    %broadcast_in_dim3A_199 = vector.shape_cast %reduce_sum3A_198 : vector<1024xf32> to vector<1024x1xf32>
    %div3A_200 = vector.broadcast %broadcast_in_dim3A_199 : vector<1024x1xf32> to vector<1024x64xf32>
    %div3A_201 = arith.divf %exp3A_196, %div3A_200 : vector<1024x64xf32>
    %convert_element_type3A_202 = arith.truncf %div3A_201 : vector<1024x64xf32> to vector<1024x64xbf16>
    %dot_general3A_203 = arith.constant dense<0.000000e+00> : vector<1024x64xf32>
    %dot_general3A_204 = tpu.matmul %convert_element_type3A_202, %slice3A_185, %dot_general3A_203 {dimension_numbers = #tpu.dot_dimension_numbers<[1], [0], [0], [1], [0, 0, 1, 1], [], []>, transpose_lhs_hint = false} : vector<1024x64xbf16>, vector<64x64xbf16>, vector<1024x64xf32> -> vector<1024x64xf32>
    %slice3A_205 = vector.extract_strided_slice %convert_element_type3A {offsets = [0, 576], sizes = [1024, 64], strides = [1, 1]} : vector<1024x1024xbf16> to vector<1024x64xbf16>
    %slice3A_206 = vector.extract_strided_slice %convert_element_type3A_9 {offsets = [0, 576], sizes = [64, 64], strides = [1, 1]} : vector<64x1024xbf16> to vector<64x64xbf16>
    %slice3A_207 = vector.extract_strided_slice %convert_element_type3A_15 {offsets = [0, 576], sizes = [64, 64], strides = [1, 1]} : vector<64x1024xbf16> to vector<64x64xbf16>
    %dot_general3A_208 = arith.constant dense<0.000000e+00> : vector<1024x64xf32>
    %dot_general3A_209 = tpu.matmul %slice3A_205, %slice3A_206, %dot_general3A_208 {dimension_numbers = #tpu.dot_dimension_numbers<[1], [1], [0], [0], [0, 0, 1, 0], [], []>, transpose_lhs_hint = false} : vector<1024x64xbf16>, vector<64x64xbf16>, vector<1024x64xf32> -> vector<1024x64xf32>
    %mul3A_210 = arith.constant 1.250000e-01 : f32
    %mul3A_211 = vector.broadcast %mul3A_210 : f32 to vector<1024x64xf32>
    %mul3A_212 = arith.mulf %dot_general3A_209, %mul3A_211 : vector<1024x64xf32>
    %reduce_max3A_213 = arith.constant dense<0xFF800000> : vector<1024xf32>
    %reduce_max3A_214 = vector.multi_reduction <maximumf>, %mul3A_212, %reduce_max3A_213 [1] : vector<1024x64xf32> to vector<1024xf32>
    %broadcast_in_dim3A_215 = vector.shape_cast %reduce_max3A_214 : vector<1024xf32> to vector<1024x1xf32>
    %sub3A_216 = vector.broadcast %broadcast_in_dim3A_215 : vector<1024x1xf32> to vector<1024x64xf32>
    %sub3A_217 = arith.subf %mul3A_212, %sub3A_216 : vector<1024x64xf32>
    %exp3A_218 = math.exp %sub3A_217 : vector<1024x64xf32>
    %reduce_sum3A_219 = arith.constant dense<0.000000e+00> : vector<1024xf32>
    %reduce_sum3A_220 = vector.multi_reduction <add>, %exp3A_218, %reduce_sum3A_219 [1] : vector<1024x64xf32> to vector<1024xf32>
    %broadcast_in_dim3A_221 = vector.shape_cast %reduce_sum3A_220 : vector<1024xf32> to vector<1024x1xf32>
    %div3A_222 = vector.broadcast %broadcast_in_dim3A_221 : vector<1024x1xf32> to vector<1024x64xf32>
    %div3A_223 = arith.divf %exp3A_218, %div3A_222 : vector<1024x64xf32>
    %convert_element_type3A_224 = arith.truncf %div3A_223 : vector<1024x64xf32> to vector<1024x64xbf16>
    %dot_general3A_225 = arith.constant dense<0.000000e+00> : vector<1024x64xf32>
    %dot_general3A_226 = tpu.matmul %convert_element_type3A_224, %slice3A_207, %dot_general3A_225 {dimension_numbers = #tpu.dot_dimension_numbers<[1], [0], [0], [1], [0, 0, 1, 1], [], []>, transpose_lhs_hint = false} : vector<1024x64xbf16>, vector<64x64xbf16>, vector<1024x64xf32> -> vector<1024x64xf32>
    %slice3A_227 = vector.extract_strided_slice %convert_element_type3A {offsets = [0, 640], sizes = [1024, 64], strides = [1, 1]} : vector<1024x1024xbf16> to vector<1024x64xbf16>
    %slice3A_228 = vector.extract_strided_slice %convert_element_type3A_9 {offsets = [0, 640], sizes = [64, 64], strides = [1, 1]} : vector<64x1024xbf16> to vector<64x64xbf16>
    %slice3A_229 = vector.extract_strided_slice %convert_element_type3A_15 {offsets = [0, 640], sizes = [64, 64], strides = [1, 1]} : vector<64x1024xbf16> to vector<64x64xbf16>
    %dot_general3A_230 = arith.constant dense<0.000000e+00> : vector<1024x64xf32>
    %dot_general3A_231 = tpu.matmul %slice3A_227, %slice3A_228, %dot_general3A_230 {dimension_numbers = #tpu.dot_dimension_numbers<[1], [1], [0], [0], [0, 0, 1, 0], [], []>, transpose_lhs_hint = false} : vector<1024x64xbf16>, vector<64x64xbf16>, vector<1024x64xf32> -> vector<1024x64xf32>
    %mul3A_232 = arith.constant 1.250000e-01 : f32
    %mul3A_233 = vector.broadcast %mul3A_232 : f32 to vector<1024x64xf32>
    %mul3A_234 = arith.mulf %dot_general3A_231, %mul3A_233 : vector<1024x64xf32>
    %reduce_max3A_235 = arith.constant dense<0xFF800000> : vector<1024xf32>
    %reduce_max3A_236 = vector.multi_reduction <maximumf>, %mul3A_234, %reduce_max3A_235 [1] : vector<1024x64xf32> to vector<1024xf32>
    %broadcast_in_dim3A_237 = vector.shape_cast %reduce_max3A_236 : vector<1024xf32> to vector<1024x1xf32>
    %sub3A_238 = vector.broadcast %broadcast_in_dim3A_237 : vector<1024x1xf32> to vector<1024x64xf32>
    %sub3A_239 = arith.subf %mul3A_234, %sub3A_238 : vector<1024x64xf32>
    %exp3A_240 = math.exp %sub3A_239 : vector<1024x64xf32>
    %reduce_sum3A_241 = arith.constant dense<0.000000e+00> : vector<1024xf32>
    %reduce_sum3A_242 = vector.multi_reduction <add>, %exp3A_240, %reduce_sum3A_241 [1] : vector<1024x64xf32> to vector<1024xf32>
    %broadcast_in_dim3A_243 = vector.shape_cast %reduce_sum3A_242 : vector<1024xf32> to vector<1024x1xf32>
    %div3A_244 = vector.broadcast %broadcast_in_dim3A_243 : vector<1024x1xf32> to vector<1024x64xf32>
    %div3A_245 = arith.divf %exp3A_240, %div3A_244 : vector<1024x64xf32>
    %convert_element_type3A_246 = arith.truncf %div3A_245 : vector<1024x64xf32> to vector<1024x64xbf16>
    %dot_general3A_247 = arith.constant dense<0.000000e+00> : vector<1024x64xf32>
    %dot_general3A_248 = tpu.matmul %convert_element_type3A_246, %slice3A_229, %dot_general3A_247 {dimension_numbers = #tpu.dot_dimension_numbers<[1], [0], [0], [1], [0, 0, 1, 1], [], []>, transpose_lhs_hint = false} : vector<1024x64xbf16>, vector<64x64xbf16>, vector<1024x64xf32> -> vector<1024x64xf32>
    %slice3A_249 = vector.extract_strided_slice %convert_element_type3A {offsets = [0, 704], sizes = [1024, 64], strides = [1, 1]} : vector<1024x1024xbf16> to vector<1024x64xbf16>
    %slice3A_250 = vector.extract_strided_slice %convert_element_type3A_9 {offsets = [0, 704], sizes = [64, 64], strides = [1, 1]} : vector<64x1024xbf16> to vector<64x64xbf16>
    %slice3A_251 = vector.extract_strided_slice %convert_element_type3A_15 {offsets = [0, 704], sizes = [64, 64], strides = [1, 1]} : vector<64x1024xbf16> to vector<64x64xbf16>
    %dot_general3A_252 = arith.constant dense<0.000000e+00> : vector<1024x64xf32>
    %dot_general3A_253 = tpu.matmul %slice3A_249, %slice3A_250, %dot_general3A_252 {dimension_numbers = #tpu.dot_dimension_numbers<[1], [1], [0], [0], [0, 0, 1, 0], [], []>, transpose_lhs_hint = false} : vector<1024x64xbf16>, vector<64x64xbf16>, vector<1024x64xf32> -> vector<1024x64xf32>
    %mul3A_254 = arith.constant 1.250000e-01 : f32
    %mul3A_255 = vector.broadcast %mul3A_254 : f32 to vector<1024x64xf32>
    %mul3A_256 = arith.mulf %dot_general3A_253, %mul3A_255 : vector<1024x64xf32>
    %reduce_max3A_257 = arith.constant dense<0xFF800000> : vector<1024xf32>
    %reduce_max3A_258 = vector.multi_reduction <maximumf>, %mul3A_256, %reduce_max3A_257 [1] : vector<1024x64xf32> to vector<1024xf32>
    %broadcast_in_dim3A_259 = vector.shape_cast %reduce_max3A_258 : vector<1024xf32> to vector<1024x1xf32>
    %sub3A_260 = vector.broadcast %broadcast_in_dim3A_259 : vector<1024x1xf32> to vector<1024x64xf32>
    %sub3A_261 = arith.subf %mul3A_256, %sub3A_260 : vector<1024x64xf32>
    %exp3A_262 = math.exp %sub3A_261 : vector<1024x64xf32>
    %reduce_sum3A_263 = arith.constant dense<0.000000e+00> : vector<1024xf32>
    %reduce_sum3A_264 = vector.multi_reduction <add>, %exp3A_262, %reduce_sum3A_263 [1] : vector<1024x64xf32> to vector<1024xf32>
    %broadcast_in_dim3A_265 = vector.shape_cast %reduce_sum3A_264 : vector<1024xf32> to vector<1024x1xf32>
    %div3A_266 = vector.broadcast %broadcast_in_dim3A_265 : vector<1024x1xf32> to vector<1024x64xf32>
    %div3A_267 = arith.divf %exp3A_262, %div3A_266 : vector<1024x64xf32>
    %convert_element_type3A_268 = arith.truncf %div3A_267 : vector<1024x64xf32> to vector<1024x64xbf16>
    %dot_general3A_269 = arith.constant dense<0.000000e+00> : vector<1024x64xf32>
    %dot_general3A_270 = tpu.matmul %convert_element_type3A_268, %slice3A_251, %dot_general3A_269 {dimension_numbers = #tpu.dot_dimension_numbers<[1], [0], [0], [1], [0, 0, 1, 1], [], []>, transpose_lhs_hint = false} : vector<1024x64xbf16>, vector<64x64xbf16>, vector<1024x64xf32> -> vector<1024x64xf32>
    %slice3A_271 = vector.extract_strided_slice %convert_element_type3A {offsets = [0, 768], sizes = [1024, 64], strides = [1, 1]} : vector<1024x1024xbf16> to vector<1024x64xbf16>
    %slice3A_272 = vector.extract_strided_slice %convert_element_type3A_9 {offsets = [0, 768], sizes = [64, 64], strides = [1, 1]} : vector<64x1024xbf16> to vector<64x64xbf16>
    %slice3A_273 = vector.extract_strided_slice %convert_element_type3A_15 {offsets = [0, 768], sizes = [64, 64], strides = [1, 1]} : vector<64x1024xbf16> to vector<64x64xbf16>
    %dot_general3A_274 = arith.constant dense<0.000000e+00> : vector<1024x64xf32>
    %dot_general3A_275 = tpu.matmul %slice3A_271, %slice3A_272, %dot_general3A_274 {dimension_numbers = #tpu.dot_dimension_numbers<[1], [1], [0], [0], [0, 0, 1, 0], [], []>, transpose_lhs_hint = false} : vector<1024x64xbf16>, vector<64x64xbf16>, vector<1024x64xf32> -> vector<1024x64xf32>
    %mul3A_276 = arith.constant 1.250000e-01 : f32
    %mul3A_277 = vector.broadcast %mul3A_276 : f32 to vector<1024x64xf32>
    %mul3A_278 = arith.mulf %dot_general3A_275, %mul3A_277 : vector<1024x64xf32>
    %reduce_max3A_279 = arith.constant dense<0xFF800000> : vector<1024xf32>
    %reduce_max3A_280 = vector.multi_reduction <maximumf>, %mul3A_278, %reduce_max3A_279 [1] : vector<1024x64xf32> to vector<1024xf32>
    %broadcast_in_dim3A_281 = vector.shape_cast %reduce_max3A_280 : vector<1024xf32> to vector<1024x1xf32>
    %sub3A_282 = vector.broadcast %broadcast_in_dim3A_281 : vector<1024x1xf32> to vector<1024x64xf32>
    %sub3A_283 = arith.subf %mul3A_278, %sub3A_282 : vector<1024x64xf32>
    %exp3A_284 = math.exp %sub3A_283 : vector<1024x64xf32>
    %reduce_sum3A_285 = arith.constant dense<0.000000e+00> : vector<1024xf32>
    %reduce_sum3A_286 = vector.multi_reduction <add>, %exp3A_284, %reduce_sum3A_285 [1] : vector<1024x64xf32> to vector<1024xf32>
    %broadcast_in_dim3A_287 = vector.shape_cast %reduce_sum3A_286 : vector<1024xf32> to vector<1024x1xf32>
    %div3A_288 = vector.broadcast %broadcast_in_dim3A_287 : vector<1024x1xf32> to vector<1024x64xf32>
    %div3A_289 = arith.divf %exp3A_284, %div3A_288 : vector<1024x64xf32>
    %convert_element_type3A_290 = arith.truncf %div3A_289 : vector<1024x64xf32> to vector<1024x64xbf16>
    %dot_general3A_291 = arith.constant dense<0.000000e+00> : vector<1024x64xf32>
    %dot_general3A_292 = tpu.matmul %convert_element_type3A_290, %slice3A_273, %dot_general3A_291 {dimension_numbers = #tpu.dot_dimension_numbers<[1], [0], [0], [1], [0, 0, 1, 1], [], []>, transpose_lhs_hint = false} : vector<1024x64xbf16>, vector<64x64xbf16>, vector<1024x64xf32> -> vector<1024x64xf32>
    %slice3A_293 = vector.extract_strided_slice %convert_element_type3A {offsets = [0, 832], sizes = [1024, 64], strides = [1, 1]} : vector<1024x1024xbf16> to vector<1024x64xbf16>
    %slice3A_294 = vector.extract_strided_slice %convert_element_type3A_9 {offsets = [0, 832], sizes = [64, 64], strides = [1, 1]} : vector<64x1024xbf16> to vector<64x64xbf16>
    %slice3A_295 = vector.extract_strided_slice %convert_element_type3A_15 {offsets = [0, 832], sizes = [64, 64], strides = [1, 1]} : vector<64x1024xbf16> to vector<64x64xbf16>
    %dot_general3A_296 = arith.constant dense<0.000000e+00> : vector<1024x64xf32>
    %dot_general3A_297 = tpu.matmul %slice3A_293, %slice3A_294, %dot_general3A_296 {dimension_numbers = #tpu.dot_dimension_numbers<[1], [1], [0], [0], [0, 0, 1, 0], [], []>, transpose_lhs_hint = false} : vector<1024x64xbf16>, vector<64x64xbf16>, vector<1024x64xf32> -> vector<1024x64xf32>
    %mul3A_298 = arith.constant 1.250000e-01 : f32
    %mul3A_299 = vector.broadcast %mul3A_298 : f32 to vector<1024x64xf32>
    %mul3A_300 = arith.mulf %dot_general3A_297, %mul3A_299 : vector<1024x64xf32>
    %reduce_max3A_301 = arith.constant dense<0xFF800000> : vector<1024xf32>
    %reduce_max3A_302 = vector.multi_reduction <maximumf>, %mul3A_300, %reduce_max3A_301 [1] : vector<1024x64xf32> to vector<1024xf32>
    %broadcast_in_dim3A_303 = vector.shape_cast %reduce_max3A_302 : vector<1024xf32> to vector<1024x1xf32>
    %sub3A_304 = vector.broadcast %broadcast_in_dim3A_303 : vector<1024x1xf32> to vector<1024x64xf32>
    %sub3A_305 = arith.subf %mul3A_300, %sub3A_304 : vector<1024x64xf32>
    %exp3A_306 = math.exp %sub3A_305 : vector<1024x64xf32>
    %reduce_sum3A_307 = arith.constant dense<0.000000e+00> : vector<1024xf32>
    %reduce_sum3A_308 = vector.multi_reduction <add>, %exp3A_306, %reduce_sum3A_307 [1] : vector<1024x64xf32> to vector<1024xf32>
    %broadcast_in_dim3A_309 = vector.shape_cast %reduce_sum3A_308 : vector<1024xf32> to vector<1024x1xf32>
    %div3A_310 = vector.broadcast %broadcast_in_dim3A_309 : vector<1024x1xf32> to vector<1024x64xf32>
    %div3A_311 = arith.divf %exp3A_306, %div3A_310 : vector<1024x64xf32>
    %convert_element_type3A_312 = arith.truncf %div3A_311 : vector<1024x64xf32> to vector<1024x64xbf16>
    %dot_general3A_313 = arith.constant dense<0.000000e+00> : vector<1024x64xf32>
    %dot_general3A_314 = tpu.matmul %convert_element_type3A_312, %slice3A_295, %dot_general3A_313 {dimension_numbers = #tpu.dot_dimension_numbers<[1], [0], [0], [1], [0, 0, 1, 1], [], []>, transpose_lhs_hint = false} : vector<1024x64xbf16>, vector<64x64xbf16>, vector<1024x64xf32> -> vector<1024x64xf32>
    %slice3A_315 = vector.extract_strided_slice %convert_element_type3A {offsets = [0, 896], sizes = [1024, 64], strides = [1, 1]} : vector<1024x1024xbf16> to vector<1024x64xbf16>
    %slice3A_316 = vector.extract_strided_slice %convert_element_type3A_9 {offsets = [0, 896], sizes = [64, 64], strides = [1, 1]} : vector<64x1024xbf16> to vector<64x64xbf16>
    %slice3A_317 = vector.extract_strided_slice %convert_element_type3A_15 {offsets = [0, 896], sizes = [64, 64], strides = [1, 1]} : vector<64x1024xbf16> to vector<64x64xbf16>
    %dot_general3A_318 = arith.constant dense<0.000000e+00> : vector<1024x64xf32>
    %dot_general3A_319 = tpu.matmul %slice3A_315, %slice3A_316, %dot_general3A_318 {dimension_numbers = #tpu.dot_dimension_numbers<[1], [1], [0], [0], [0, 0, 1, 0], [], []>, transpose_lhs_hint = false} : vector<1024x64xbf16>, vector<64x64xbf16>, vector<1024x64xf32> -> vector<1024x64xf32>
    %mul3A_320 = arith.constant 1.250000e-01 : f32
    %mul3A_321 = vector.broadcast %mul3A_320 : f32 to vector<1024x64xf32>
    %mul3A_322 = arith.mulf %dot_general3A_319, %mul3A_321 : vector<1024x64xf32>
    %reduce_max3A_323 = arith.constant dense<0xFF800000> : vector<1024xf32>
    %reduce_max3A_324 = vector.multi_reduction <maximumf>, %mul3A_322, %reduce_max3A_323 [1] : vector<1024x64xf32> to vector<1024xf32>
    %broadcast_in_dim3A_325 = vector.shape_cast %reduce_max3A_324 : vector<1024xf32> to vector<1024x1xf32>
    %sub3A_326 = vector.broadcast %broadcast_in_dim3A_325 : vector<1024x1xf32> to vector<1024x64xf32>
    %sub3A_327 = arith.subf %mul3A_322, %sub3A_326 : vector<1024x64xf32>
    %exp3A_328 = math.exp %sub3A_327 : vector<1024x64xf32>
    %reduce_sum3A_329 = arith.constant dense<0.000000e+00> : vector<1024xf32>
    %reduce_sum3A_330 = vector.multi_reduction <add>, %exp3A_328, %reduce_sum3A_329 [1] : vector<1024x64xf32> to vector<1024xf32>
    %broadcast_in_dim3A_331 = vector.shape_cast %reduce_sum3A_330 : vector<1024xf32> to vector<1024x1xf32>
    %div3A_332 = vector.broadcast %broadcast_in_dim3A_331 : vector<1024x1xf32> to vector<1024x64xf32>
    %div3A_333 = arith.divf %exp3A_328, %div3A_332 : vector<1024x64xf32>
    %convert_element_type3A_334 = arith.truncf %div3A_333 : vector<1024x64xf32> to vector<1024x64xbf16>
    %dot_general3A_335 = arith.constant dense<0.000000e+00> : vector<1024x64xf32>
    %dot_general3A_336 = tpu.matmul %convert_element_type3A_334, %slice3A_317, %dot_general3A_335 {dimension_numbers = #tpu.dot_dimension_numbers<[1], [0], [0], [1], [0, 0, 1, 1], [], []>, transpose_lhs_hint = false} : vector<1024x64xbf16>, vector<64x64xbf16>, vector<1024x64xf32> -> vector<1024x64xf32>
    %slice3A_337 = vector.extract_strided_slice %convert_element_type3A {offsets = [0, 960], sizes = [1024, 64], strides = [1, 1]} : vector<1024x1024xbf16> to vector<1024x64xbf16>
    %slice3A_338 = vector.extract_strided_slice %convert_element_type3A_9 {offsets = [0, 960], sizes = [64, 64], strides = [1, 1]} : vector<64x1024xbf16> to vector<64x64xbf16>
    %slice3A_339 = vector.extract_strided_slice %convert_element_type3A_15 {offsets = [0, 960], sizes = [64, 64], strides = [1, 1]} : vector<64x1024xbf16> to vector<64x64xbf16>
    %dot_general3A_340 = arith.constant dense<0.000000e+00> : vector<1024x64xf32>
    %dot_general3A_341 = tpu.matmul %slice3A_337, %slice3A_338, %dot_general3A_340 {dimension_numbers = #tpu.dot_dimension_numbers<[1], [1], [0], [0], [0, 0, 1, 0], [], []>, transpose_lhs_hint = false} : vector<1024x64xbf16>, vector<64x64xbf16>, vector<1024x64xf32> -> vector<1024x64xf32>
    %mul3A_342 = arith.constant 1.250000e-01 : f32
    %mul3A_343 = vector.broadcast %mul3A_342 : f32 to vector<1024x64xf32>
    %mul3A_344 = arith.mulf %dot_general3A_341, %mul3A_343 : vector<1024x64xf32>
    %reduce_max3A_345 = arith.constant dense<0xFF800000> : vector<1024xf32>
    %reduce_max3A_346 = vector.multi_reduction <maximumf>, %mul3A_344, %reduce_max3A_345 [1] : vector<1024x64xf32> to vector<1024xf32>
    %broadcast_in_dim3A_347 = vector.shape_cast %reduce_max3A_346 : vector<1024xf32> to vector<1024x1xf32>
    %sub3A_348 = vector.broadcast %broadcast_in_dim3A_347 : vector<1024x1xf32> to vector<1024x64xf32>
    %sub3A_349 = arith.subf %mul3A_344, %sub3A_348 : vector<1024x64xf32>
    %exp3A_350 = math.exp %sub3A_349 : vector<1024x64xf32>
    %reduce_sum3A_351 = arith.constant dense<0.000000e+00> : vector<1024xf32>
    %reduce_sum3A_352 = vector.multi_reduction <add>, %exp3A_350, %reduce_sum3A_351 [1] : vector<1024x64xf32> to vector<1024xf32>
    %broadcast_in_dim3A_353 = vector.shape_cast %reduce_sum3A_352 : vector<1024xf32> to vector<1024x1xf32>
    %div3A_354 = vector.broadcast %broadcast_in_dim3A_353 : vector<1024x1xf32> to vector<1024x64xf32>
    %div3A_355 = arith.divf %exp3A_350, %div3A_354 : vector<1024x64xf32>
    %convert_element_type3A_356 = arith.truncf %div3A_355 : vector<1024x64xf32> to vector<1024x64xbf16>
    %dot_general3A_357 = arith.constant dense<0.000000e+00> : vector<1024x64xf32>
    %dot_general3A_358 = tpu.matmul %convert_element_type3A_356, %slice3A_339, %dot_general3A_357 {dimension_numbers = #tpu.dot_dimension_numbers<[1], [0], [0], [1], [0, 0, 1, 1], [], []>, transpose_lhs_hint = false} : vector<1024x64xbf16>, vector<64x64xbf16>, vector<1024x64xf32> -> vector<1024x64xf32>
    %concatenate3A = tpu.concatenate %dot_general3A_28, %dot_general3A_50, %dot_general3A_72, %dot_general3A_94, %dot_general3A_116, %dot_general3A_138, %dot_general3A_160, %dot_general3A_182, %dot_general3A_204, %dot_general3A_226, %dot_general3A_248, %dot_general3A_270, %dot_general3A_292, %dot_general3A_314, %dot_general3A_336, %dot_general3A_358 in 1 : vector<1024x64xf32>, vector<1024x64xf32>, vector<1024x64xf32>, vector<1024x64xf32>, vector<1024x64xf32>, vector<1024x64xf32>, vector<1024x64xf32>, vector<1024x64xf32>, vector<1024x64xf32>, vector<1024x64xf32>, vector<1024x64xf32>, vector<1024x64xf32>, vector<1024x64xf32>, vector<1024x64xf32>, vector<1024x64xf32>, vector<1024x64xf32> -> vector<1024x1024xf32>
    %convert_element_type3A_359 = arith.truncf %concatenate3A : vector<1024x1024xf32> to vector<1024x1024xbf16>
    %get3A_360 = arith.constant 0 : index
    %get3A_361 = arith.constant 0 : index
    %get3A_362 = vector.load %arg5[%get3A_360, %get3A_361] : memref<1024x1024xbf16, #tpu.memory_space<vmem>>, vector<1024x1024xbf16>
    %dot_general3A_363 = arith.constant dense<0.000000e+00> : vector<1024x1024xf32>
    %dot_general3A_364 = tpu.matmul %convert_element_type3A_359, %get3A_362, %dot_general3A_363 {dimension_numbers = #tpu.dot_dimension_numbers<[1], [0], [0], [1], [0, 0, 1, 1], [], []>, transpose_lhs_hint = false} : vector<1024x1024xbf16>, vector<1024x1024xbf16>, vector<1024x1024xf32> -> vector<1024x1024xf32>
    %swap3A = arith.constant 0 : index
    %swap3A_365 = arith.constant 0 : index
    %swap3A_366 = arith.constant 0 : index
    %swap3A_367 = vector.load %arg6[%swap3A, %swap3A_365, %swap3A_366] : memref<1x1024x1024xf32, #tpu.memory_space<vmem>>, vector<1x1024x1024xf32>
    %swap3A_368 = vector.shape_cast %swap3A_367 : vector<1x1024x1024xf32> to vector<1024x1024xf32>
    %swap3A_369 = vector.shape_cast %dot_general3A_364 : vector<1024x1024xf32> to vector<1x1024x1024xf32>
    tpu.vector_store %arg6[%swap3A, %swap3A_365, %swap3A_366], %swap3A_369 {strides = array<i32>} : memref<1x1024x1024xf32, #tpu.memory_space<vmem>>, vector<1x1024x1024xf32>,
    return
  }
  func.func @transform_0(%arg0: i32, %arg1: i32) -> (i32, i32, i32) {
    %c0_i32 = arith.constant 0 : i32
    %c0_i32_0 = arith.constant 0 : i32
    return %arg0, %arg1, %c0_i32 : i32, i32, i32
  }
  func.func @transform_1(%arg0: i32, %arg1: i32) -> (i32, i32, i32) {
    %c0_i32 = arith.constant 0 : i32
    %c0_i32_0 = arith.constant 0 : i32
    %c0_i32_1 = arith.constant 0 : i32
    return %arg0, %c0_i32, %c0_i32_0 : i32, i32, i32
  }
  func.func @transform_2(%arg0: i32, %arg1: i32) -> (i32, i32, i32) {
    %c0_i32 = arith.constant 0 : i32
    %c0_i32_0 = arith.constant 0 : i32
    %c0_i32_1 = arith.constant 0 : i32
    return %arg0, %c0_i32, %c0_i32_0 : i32, i32, i32
  }
  func.func @transform_3(%arg0: i32, %arg1: i32) -> (i32, i32) {
    %c0_i32 = arith.constant 0 : i32
    %c0_i32_0 = arith.constant 0 : i32
    %c0_i32_1 = arith.constant 0 : i32
    return %c0_i32, %c0_i32_0 : i32, i32
  }
  func.func @transform_4(%arg0: i32, %arg1: i32) -> (i32, i32, i32) {
    %c0_i32 = arith.constant 0 : i32
    %c0_i32_0 = arith.constant 0 : i32
    return %arg0, %arg1, %c0_i32 : i32, i32, i32
  }
}

module attributes {stable_mosaic.version = 14 : i64} {
  func.func @_qkv_pool_body(%arg0: i32, %arg1: i32, %arg2: memref<1x1024x1024xf32, #tpu.memory_space<vmem>>, %arg3: memref<1024x1024xf32, #tpu.memory_space<vmem>>, %arg4: memref<1024x1024xf32, #tpu.memory_space<vmem>>, %arg5: memref<1024x1024xf32, #tpu.memory_space<vmem>>, %arg6: memref<1x1024x1024xf32, #tpu.memory_space<vmem>>, %arg7: memref<1x256x1024xf32, #tpu.memory_space<vmem>>, %arg8: memref<1x256x1024xf32, #tpu.memory_space<vmem>>) attributes {dimension_semantics = [#tpu.dimension_semantics<arbitrary>, #tpu.dimension_semantics<arbitrary>], iteration_bounds = array<i64: 2, 4>, scalar_prefetch = 0 : i64, scratch_operands = 0 : i64, tpu.core_type = #tpu.core_type<tc>, window_params = [{transform_indices = @transform_0, window_bounds = array<i64: 1, 1024, 1024>}, {pipeline_mode = #tpu.pipeline_mode<synchronous>, transform_indices = @transform_1, window_bounds = array<i64: 1024, 1024>}, {pipeline_mode = #tpu.pipeline_mode<synchronous>, transform_indices = @transform_2, window_bounds = array<i64: 1024, 1024>}, {pipeline_mode = #tpu.pipeline_mode<synchronous>, transform_indices = @transform_3, window_bounds = array<i64: 1024, 1024>}, {transform_indices = @transform_4, window_bounds = array<i64: 1, 1024, 1024>}, {transform_indices = @transform_5, window_bounds = array<i64: 1, 256, 1024>}, {transform_indices = @transform_6, window_bounds = array<i64: 1, 256, 1024>}]} {
    %get3A = arith.constant 0 : index
    %get3A_0 = arith.constant 0 : index
    %get3A_1 = arith.constant 0 : index
    %get3A_2 = vector.load %arg2[%get3A, %get3A_0, %get3A_1] : memref<1x1024x1024xf32, #tpu.memory_space<vmem>>, vector<1x1024x1024xf32>
    %get3A_3 = vector.shape_cast %get3A_2 : vector<1x1024x1024xf32> to vector<1024x1024xf32>
    %get3A_4 = arith.constant 0 : index
    %get3A_5 = arith.constant 0 : index
    %get3A_6 = vector.load %arg3[%get3A_4, %get3A_5] : memref<1024x1024xf32, #tpu.memory_space<vmem>>, vector<1024x1024xf32>
    %dot_general3A = arith.constant dense<0.000000e+00> : vector<1024x1024xf32>
    %dot_general3A_7 = tpu.matmul %get3A_3, %get3A_6, %dot_general3A {dimension_numbers = #tpu.dot_dimension_numbers<[1], [0], [0], [1], [0, 0, 1, 1], [], []>, transpose_lhs_hint = false} : vector<1024x1024xf32>, vector<1024x1024xf32>, vector<1024x1024xf32> -> vector<1024x1024xf32>
    %swap3A = arith.constant 0 : index
    %swap3A_8 = arith.constant 0 : index
    %swap3A_9 = arith.constant 0 : index
    %swap3A_10 = vector.load %arg6[%swap3A, %swap3A_8, %swap3A_9] : memref<1x1024x1024xf32, #tpu.memory_space<vmem>>, vector<1x1024x1024xf32>
    %swap3A_11 = vector.shape_cast %swap3A_10 : vector<1x1024x1024xf32> to vector<1024x1024xf32>
    %swap3A_12 = vector.shape_cast %dot_general3A_7 : vector<1024x1024xf32> to vector<1x1024x1024xf32>
    tpu.vector_store %arg6[%swap3A, %swap3A_8, %swap3A_9], %swap3A_12 {strides = array<i32>} : memref<1x1024x1024xf32, #tpu.memory_space<vmem>>, vector<1x1024x1024xf32>,
    %get3A_13 = arith.constant 0 : index
    %get3A_14 = arith.constant 0 : index
    %get3A_15 = vector.load %arg4[%get3A_13, %get3A_14] : memref<1024x1024xf32, #tpu.memory_space<vmem>>, vector<1024x1024xf32>
    %dot_general3A_16 = arith.constant dense<0.000000e+00> : vector<1024x1024xf32>
    %dot_general3A_17 = tpu.matmul %get3A_3, %get3A_15, %dot_general3A_16 {dimension_numbers = #tpu.dot_dimension_numbers<[1], [0], [0], [1], [0, 0, 1, 1], [], []>, transpose_lhs_hint = false} : vector<1024x1024xf32>, vector<1024x1024xf32>, vector<1024x1024xf32> -> vector<1024x1024xf32>
    %reshape3A = vector.shape_cast %dot_general3A_17 : vector<1024x1024xf32> to vector<256x4x1024xf32>
    %reduce_sum3A = arith.constant dense<0.000000e+00> : vector<256x1024xf32>
    %reduce_sum3A_18 = vector.multi_reduction <add>, %reshape3A, %reduce_sum3A [1] : vector<256x4x1024xf32> to vector<256x1024xf32>
    %div3A = arith.constant 4.000000e+00 : f32
    %div3A_19 = vector.broadcast %div3A : f32 to vector<256x1024xf32>
    %div3A_20 = arith.divf %reduce_sum3A_18, %div3A_19 : vector<256x1024xf32>
    %swap3A_21 = arith.constant 0 : index
    %swap3A_22 = arith.constant 0 : index
    %swap3A_23 = arith.constant 0 : index
    %swap3A_24 = vector.load %arg7[%swap3A_21, %swap3A_22, %swap3A_23] : memref<1x256x1024xf32, #tpu.memory_space<vmem>>, vector<1x256x1024xf32>
    %swap3A_25 = vector.shape_cast %swap3A_24 : vector<1x256x1024xf32> to vector<256x1024xf32>
    %swap3A_26 = vector.shape_cast %div3A_20 : vector<256x1024xf32> to vector<1x256x1024xf32>
    tpu.vector_store %arg7[%swap3A_21, %swap3A_22, %swap3A_23], %swap3A_26 {strides = array<i32>} : memref<1x256x1024xf32, #tpu.memory_space<vmem>>, vector<1x256x1024xf32>,
    %reshape3A_27 = vector.shape_cast %get3A_3 : vector<1024x1024xf32> to vector<256x4x1024xf32>
    %reduce_sum3A_28 = arith.constant dense<0.000000e+00> : vector<256x1024xf32>
    %reduce_sum3A_29 = vector.multi_reduction <add>, %reshape3A_27, %reduce_sum3A_28 [1] : vector<256x4x1024xf32> to vector<256x1024xf32>
    %div3A_30 = arith.constant 4.000000e+00 : f32
    %div3A_31 = vector.broadcast %div3A_30 : f32 to vector<256x1024xf32>
    %div3A_32 = arith.divf %reduce_sum3A_29, %div3A_31 : vector<256x1024xf32>
    %get3A_33 = arith.constant 0 : index
    %get3A_34 = arith.constant 0 : index
    %get3A_35 = vector.load %arg5[%get3A_33, %get3A_34] : memref<1024x1024xf32, #tpu.memory_space<vmem>>, vector<1024x1024xf32>
    %dot_general3A_36 = arith.constant dense<0.000000e+00> : vector<256x1024xf32>
    %dot_general3A_37 = tpu.matmul %div3A_32, %get3A_35, %dot_general3A_36 {dimension_numbers = #tpu.dot_dimension_numbers<[1], [0], [0], [1], [0, 0, 1, 1], [], []>, transpose_lhs_hint = false} : vector<256x1024xf32>, vector<1024x1024xf32>, vector<256x1024xf32> -> vector<256x1024xf32>
    %swap3A_38 = arith.constant 0 : index
    %swap3A_39 = arith.constant 0 : index
    %swap3A_40 = arith.constant 0 : index
    %swap3A_41 = vector.load %arg8[%swap3A_38, %swap3A_39, %swap3A_40] : memref<1x256x1024xf32, #tpu.memory_space<vmem>>, vector<1x256x1024xf32>
    %swap3A_42 = vector.shape_cast %swap3A_41 : vector<1x256x1024xf32> to vector<256x1024xf32>
    %swap3A_43 = vector.shape_cast %dot_general3A_37 : vector<256x1024xf32> to vector<1x256x1024xf32>
    tpu.vector_store %arg8[%swap3A_38, %swap3A_39, %swap3A_40], %swap3A_43 {strides = array<i32>} : memref<1x256x1024xf32, #tpu.memory_space<vmem>>, vector<1x256x1024xf32>,
    return
  }
  func.func @transform_0(%arg0: i32, %arg1: i32) -> (i32, i32, i32) {
    %c0_i32 = arith.constant 0 : i32
    %c0_i32_0 = arith.constant 0 : i32
    return %arg0, %arg1, %c0_i32 : i32, i32, i32
  }
  func.func @transform_1(%arg0: i32, %arg1: i32) -> (i32, i32) {
    %c0_i32 = arith.constant 0 : i32
    %c0_i32_0 = arith.constant 0 : i32
    %c0_i32_1 = arith.constant 0 : i32
    return %c0_i32, %c0_i32_0 : i32, i32
  }
  func.func @transform_2(%arg0: i32, %arg1: i32) -> (i32, i32) {
    %c0_i32 = arith.constant 0 : i32
    %c0_i32_0 = arith.constant 0 : i32
    %c0_i32_1 = arith.constant 0 : i32
    return %c0_i32, %c0_i32_0 : i32, i32
  }
  func.func @transform_3(%arg0: i32, %arg1: i32) -> (i32, i32) {
    %c0_i32 = arith.constant 0 : i32
    %c0_i32_0 = arith.constant 0 : i32
    %c0_i32_1 = arith.constant 0 : i32
    return %c0_i32, %c0_i32_0 : i32, i32
  }
  func.func @transform_4(%arg0: i32, %arg1: i32) -> (i32, i32, i32) {
    %c0_i32 = arith.constant 0 : i32
    %c0_i32_0 = arith.constant 0 : i32
    return %arg0, %arg1, %c0_i32 : i32, i32, i32
  }
  func.func @transform_5(%arg0: i32, %arg1: i32) -> (i32, i32, i32) {
    %c0_i32 = arith.constant 0 : i32
    %c0_i32_0 = arith.constant 0 : i32
    return %arg0, %arg1, %c0_i32 : i32, i32, i32
  }
  func.func @transform_6(%arg0: i32, %arg1: i32) -> (i32, i32, i32) {
    %c0_i32 = arith.constant 0 : i32
    %c0_i32_0 = arith.constant 0 : i32
    return %arg0, %arg1, %c0_i32 : i32, i32, i32
  }
}

module attributes {stable_mosaic.version = 14 : i64} {
  func.func @_routing_topk_body(%arg0: i32, %arg1: i32, %arg2: memref<1x1024x1024xf32, #tpu.memory_space<vmem>>, %arg3: memref<1x1024x1024xf32, #tpu.memory_space<vmem>>, %arg4: memref<1x1x64xi32, #tpu.memory_space<vmem>>, %arg5: memref<1x1024xf32, #tpu.memory_space<vmem>>) attributes {dimension_semantics = [#tpu.dimension_semantics<arbitrary>, #tpu.dimension_semantics<arbitrary>], iteration_bounds = array<i64: 2, 4>, scalar_prefetch = 0 : i64, scratch_operands = 1 : i64, tpu.core_type = #tpu.core_type<tc>, window_params = [{transform_indices = @transform_0, window_bounds = array<i64: 1, 1024, 1024>}, {transform_indices = @transform_1, window_bounds = array<i64: 1, 1024, 1024>}, {transform_indices = @transform_2, window_bounds = array<i64: 1, 1, 64>}]} {
    %get3A = arith.constant 0 : index
    %get3A_0 = arith.constant 0 : index
    %get3A_1 = arith.constant 0 : index
    %get3A_2 = vector.load %arg2[%get3A, %get3A_0, %get3A_1] : memref<1x1024x1024xf32, #tpu.memory_space<vmem>>, vector<1x1024x1024xf32>
    %get3A_3 = vector.shape_cast %get3A_2 : vector<1x1024x1024xf32> to vector<1024x1024xf32>
    %get3A_4 = arith.constant 0 : index
    %get3A_5 = arith.constant 0 : index
    %get3A_6 = arith.constant 0 : index
    %get3A_7 = vector.load %arg3[%get3A_4, %get3A_5, %get3A_6] : memref<1x1024x1024xf32, #tpu.memory_space<vmem>>, vector<1x1024x1024xf32>
    %get3A_8 = vector.shape_cast %get3A_7 : vector<1x1024x1024xf32> to vector<1024x1024xf32>
    %slice3A = vector.extract_strided_slice %get3A_3 {offsets = [0, 0], sizes = [1024, 64], strides = [1, 1]} : vector<1024x1024xf32> to vector<1024x64xf32>
    %slice3A_9 = vector.extract_strided_slice %get3A_8 {offsets = [0, 0], sizes = [1024, 64], strides = [1, 1]} : vector<1024x1024xf32> to vector<1024x64xf32>
    %dot_general3A = arith.constant dense<0.000000e+00> : vector<1024x1024xf32>
    %dot_general3A_10 = tpu.matmul %slice3A, %slice3A_9, %dot_general3A {dimension_numbers = #tpu.dot_dimension_numbers<[1], [1], [0], [0], [0, 0, 1, 0], [], []>, transpose_lhs_hint = false} : vector<1024x64xf32>, vector<1024x64xf32>, vector<1024x1024xf32> -> vector<1024x1024xf32>
    %reduce_max3A = arith.constant dense<0xFF800000> : vector<1024xf32>
    %reduce_max3A_11 = vector.multi_reduction <maximumf>, %dot_general3A_10, %reduce_max3A [0] : vector<1024x1024xf32> to vector<1024xf32>
    %broadcast_in_dim3A = vector.shape_cast %reduce_max3A_11 : vector<1024xf32> to vector<1x1024xf32>
    %slice3A_12 = vector.extract_strided_slice %get3A_3 {offsets = [0, 64], sizes = [1024, 64], strides = [1, 1]} : vector<1024x1024xf32> to vector<1024x64xf32>
    %slice3A_13 = vector.extract_strided_slice %get3A_8 {offsets = [0, 64], sizes = [1024, 64], strides = [1, 1]} : vector<1024x1024xf32> to vector<1024x64xf32>
    %dot_general3A_14 = arith.constant dense<0.000000e+00> : vector<1024x1024xf32>
    %dot_general3A_15 = tpu.matmul %slice3A_12, %slice3A_13, %dot_general3A_14 {dimension_numbers = #tpu.dot_dimension_numbers<[1], [1], [0], [0], [0, 0, 1, 0], [], []>, transpose_lhs_hint = false} : vector<1024x64xf32>, vector<1024x64xf32>, vector<1024x1024xf32> -> vector<1024x1024xf32>
    %reduce_max3A_16 = arith.constant dense<0xFF800000> : vector<1024xf32>
    %reduce_max3A_17 = vector.multi_reduction <maximumf>, %dot_general3A_15, %reduce_max3A_16 [0] : vector<1024x1024xf32> to vector<1024xf32>
    %broadcast_in_dim3A_18 = vector.shape_cast %reduce_max3A_17 : vector<1024xf32> to vector<1x1024xf32>
    %max3A = arith.maximumf %broadcast_in_dim3A, %broadcast_in_dim3A_18 : vector<1x1024xf32>
    %slice3A_19 = vector.extract_strided_slice %get3A_3 {offsets = [0, 128], sizes = [1024, 64], strides = [1, 1]} : vector<1024x1024xf32> to vector<1024x64xf32>
    %slice3A_20 = vector.extract_strided_slice %get3A_8 {offsets = [0, 128], sizes = [1024, 64], strides = [1, 1]} : vector<1024x1024xf32> to vector<1024x64xf32>
    %dot_general3A_21 = arith.constant dense<0.000000e+00> : vector<1024x1024xf32>
    %dot_general3A_22 = tpu.matmul %slice3A_19, %slice3A_20, %dot_general3A_21 {dimension_numbers = #tpu.dot_dimension_numbers<[1], [1], [0], [0], [0, 0, 1, 0], [], []>, transpose_lhs_hint = false} : vector<1024x64xf32>, vector<1024x64xf32>, vector<1024x1024xf32> -> vector<1024x1024xf32>
    %reduce_max3A_23 = arith.constant dense<0xFF800000> : vector<1024xf32>
    %reduce_max3A_24 = vector.multi_reduction <maximumf>, %dot_general3A_22, %reduce_max3A_23 [0] : vector<1024x1024xf32> to vector<1024xf32>
    %broadcast_in_dim3A_25 = vector.shape_cast %reduce_max3A_24 : vector<1024xf32> to vector<1x1024xf32>
    %max3A_26 = arith.maximumf %max3A, %broadcast_in_dim3A_25 : vector<1x1024xf32>
    %slice3A_27 = vector.extract_strided_slice %get3A_3 {offsets = [0, 192], sizes = [1024, 64], strides = [1, 1]} : vector<1024x1024xf32> to vector<1024x64xf32>
    %slice3A_28 = vector.extract_strided_slice %get3A_8 {offsets = [0, 192], sizes = [1024, 64], strides = [1, 1]} : vector<1024x1024xf32> to vector<1024x64xf32>
    %dot_general3A_29 = arith.constant dense<0.000000e+00> : vector<1024x1024xf32>
    %dot_general3A_30 = tpu.matmul %slice3A_27, %slice3A_28, %dot_general3A_29 {dimension_numbers = #tpu.dot_dimension_numbers<[1], [1], [0], [0], [0, 0, 1, 0], [], []>, transpose_lhs_hint = false} : vector<1024x64xf32>, vector<1024x64xf32>, vector<1024x1024xf32> -> vector<1024x1024xf32>
    %reduce_max3A_31 = arith.constant dense<0xFF800000> : vector<1024xf32>
    %reduce_max3A_32 = vector.multi_reduction <maximumf>, %dot_general3A_30, %reduce_max3A_31 [0] : vector<1024x1024xf32> to vector<1024xf32>
    %broadcast_in_dim3A_33 = vector.shape_cast %reduce_max3A_32 : vector<1024xf32> to vector<1x1024xf32>
    %max3A_34 = arith.maximumf %max3A_26, %broadcast_in_dim3A_33 : vector<1x1024xf32>
    %slice3A_35 = vector.extract_strided_slice %get3A_3 {offsets = [0, 256], sizes = [1024, 64], strides = [1, 1]} : vector<1024x1024xf32> to vector<1024x64xf32>
    %slice3A_36 = vector.extract_strided_slice %get3A_8 {offsets = [0, 256], sizes = [1024, 64], strides = [1, 1]} : vector<1024x1024xf32> to vector<1024x64xf32>
    %dot_general3A_37 = arith.constant dense<0.000000e+00> : vector<1024x1024xf32>
    %dot_general3A_38 = tpu.matmul %slice3A_35, %slice3A_36, %dot_general3A_37 {dimension_numbers = #tpu.dot_dimension_numbers<[1], [1], [0], [0], [0, 0, 1, 0], [], []>, transpose_lhs_hint = false} : vector<1024x64xf32>, vector<1024x64xf32>, vector<1024x1024xf32> -> vector<1024x1024xf32>
    %reduce_max3A_39 = arith.constant dense<0xFF800000> : vector<1024xf32>
    %reduce_max3A_40 = vector.multi_reduction <maximumf>, %dot_general3A_38, %reduce_max3A_39 [0] : vector<1024x1024xf32> to vector<1024xf32>
    %broadcast_in_dim3A_41 = vector.shape_cast %reduce_max3A_40 : vector<1024xf32> to vector<1x1024xf32>
    %max3A_42 = arith.maximumf %max3A_34, %broadcast_in_dim3A_41 : vector<1x1024xf32>
    %slice3A_43 = vector.extract_strided_slice %get3A_3 {offsets = [0, 320], sizes = [1024, 64], strides = [1, 1]} : vector<1024x1024xf32> to vector<1024x64xf32>
    %slice3A_44 = vector.extract_strided_slice %get3A_8 {offsets = [0, 320], sizes = [1024, 64], strides = [1, 1]} : vector<1024x1024xf32> to vector<1024x64xf32>
    %dot_general3A_45 = arith.constant dense<0.000000e+00> : vector<1024x1024xf32>
    %dot_general3A_46 = tpu.matmul %slice3A_43, %slice3A_44, %dot_general3A_45 {dimension_numbers = #tpu.dot_dimension_numbers<[1], [1], [0], [0], [0, 0, 1, 0], [], []>, transpose_lhs_hint = false} : vector<1024x64xf32>, vector<1024x64xf32>, vector<1024x1024xf32> -> vector<1024x1024xf32>
    %reduce_max3A_47 = arith.constant dense<0xFF800000> : vector<1024xf32>
    %reduce_max3A_48 = vector.multi_reduction <maximumf>, %dot_general3A_46, %reduce_max3A_47 [0] : vector<1024x1024xf32> to vector<1024xf32>
    %broadcast_in_dim3A_49 = vector.shape_cast %reduce_max3A_48 : vector<1024xf32> to vector<1x1024xf32>
    %max3A_50 = arith.maximumf %max3A_42, %broadcast_in_dim3A_49 : vector<1x1024xf32>
    %slice3A_51 = vector.extract_strided_slice %get3A_3 {offsets = [0, 384], sizes = [1024, 64], strides = [1, 1]} : vector<1024x1024xf32> to vector<1024x64xf32>
    %slice3A_52 = vector.extract_strided_slice %get3A_8 {offsets = [0, 384], sizes = [1024, 64], strides = [1, 1]} : vector<1024x1024xf32> to vector<1024x64xf32>
    %dot_general3A_53 = arith.constant dense<0.000000e+00> : vector<1024x1024xf32>
    %dot_general3A_54 = tpu.matmul %slice3A_51, %slice3A_52, %dot_general3A_53 {dimension_numbers = #tpu.dot_dimension_numbers<[1], [1], [0], [0], [0, 0, 1, 0], [], []>, transpose_lhs_hint = false} : vector<1024x64xf32>, vector<1024x64xf32>, vector<1024x1024xf32> -> vector<1024x1024xf32>
    %reduce_max3A_55 = arith.constant dense<0xFF800000> : vector<1024xf32>
    %reduce_max3A_56 = vector.multi_reduction <maximumf>, %dot_general3A_54, %reduce_max3A_55 [0] : vector<1024x1024xf32> to vector<1024xf32>
    %broadcast_in_dim3A_57 = vector.shape_cast %reduce_max3A_56 : vector<1024xf32> to vector<1x1024xf32>
    %max3A_58 = arith.maximumf %max3A_50, %broadcast_in_dim3A_57 : vector<1x1024xf32>
    %slice3A_59 = vector.extract_strided_slice %get3A_3 {offsets = [0, 448], sizes = [1024, 64], strides = [1, 1]} : vector<1024x1024xf32> to vector<1024x64xf32>
    %slice3A_60 = vector.extract_strided_slice %get3A_8 {offsets = [0, 448], sizes = [1024, 64], strides = [1, 1]} : vector<1024x1024xf32> to vector<1024x64xf32>
    %dot_general3A_61 = arith.constant dense<0.000000e+00> : vector<1024x1024xf32>
    %dot_general3A_62 = tpu.matmul %slice3A_59, %slice3A_60, %dot_general3A_61 {dimension_numbers = #tpu.dot_dimension_numbers<[1], [1], [0], [0], [0, 0, 1, 0], [], []>, transpose_lhs_hint = false} : vector<1024x64xf32>, vector<1024x64xf32>, vector<1024x1024xf32> -> vector<1024x1024xf32>
    %reduce_max3A_63 = arith.constant dense<0xFF800000> : vector<1024xf32>
    %reduce_max3A_64 = vector.multi_reduction <maximumf>, %dot_general3A_62, %reduce_max3A_63 [0] : vector<1024x1024xf32> to vector<1024xf32>
    %broadcast_in_dim3A_65 = vector.shape_cast %reduce_max3A_64 : vector<1024xf32> to vector<1x1024xf32>
    %max3A_66 = arith.maximumf %max3A_58, %broadcast_in_dim3A_65 : vector<1x1024xf32>
    %slice3A_67 = vector.extract_strided_slice %get3A_3 {offsets = [0, 512], sizes = [1024, 64], strides = [1, 1]} : vector<1024x1024xf32> to vector<1024x64xf32>
    %slice3A_68 = vector.extract_strided_slice %get3A_8 {offsets = [0, 512], sizes = [1024, 64], strides = [1, 1]} : vector<1024x1024xf32> to vector<1024x64xf32>
    %dot_general3A_69 = arith.constant dense<0.000000e+00> : vector<1024x1024xf32>
    %dot_general3A_70 = tpu.matmul %slice3A_67, %slice3A_68, %dot_general3A_69 {dimension_numbers = #tpu.dot_dimension_numbers<[1], [1], [0], [0], [0, 0, 1, 0], [], []>, transpose_lhs_hint = false} : vector<1024x64xf32>, vector<1024x64xf32>, vector<1024x1024xf32> -> vector<1024x1024xf32>
    %reduce_max3A_71 = arith.constant dense<0xFF800000> : vector<1024xf32>
    %reduce_max3A_72 = vector.multi_reduction <maximumf>, %dot_general3A_70, %reduce_max3A_71 [0] : vector<1024x1024xf32> to vector<1024xf32>
    %broadcast_in_dim3A_73 = vector.shape_cast %reduce_max3A_72 : vector<1024xf32> to vector<1x1024xf32>
    %max3A_74 = arith.maximumf %max3A_66, %broadcast_in_dim3A_73 : vector<1x1024xf32>
    %slice3A_75 = vector.extract_strided_slice %get3A_3 {offsets = [0, 576], sizes = [1024, 64], strides = [1, 1]} : vector<1024x1024xf32> to vector<1024x64xf32>
    %slice3A_76 = vector.extract_strided_slice %get3A_8 {offsets = [0, 576], sizes = [1024, 64], strides = [1, 1]} : vector<1024x1024xf32> to vector<1024x64xf32>
    %dot_general3A_77 = arith.constant dense<0.000000e+00> : vector<1024x1024xf32>
    %dot_general3A_78 = tpu.matmul %slice3A_75, %slice3A_76, %dot_general3A_77 {dimension_numbers = #tpu.dot_dimension_numbers<[1], [1], [0], [0], [0, 0, 1, 0], [], []>, transpose_lhs_hint = false} : vector<1024x64xf32>, vector<1024x64xf32>, vector<1024x1024xf32> -> vector<1024x1024xf32>
    %reduce_max3A_79 = arith.constant dense<0xFF800000> : vector<1024xf32>
    %reduce_max3A_80 = vector.multi_reduction <maximumf>, %dot_general3A_78, %reduce_max3A_79 [0] : vector<1024x1024xf32> to vector<1024xf32>
    %broadcast_in_dim3A_81 = vector.shape_cast %reduce_max3A_80 : vector<1024xf32> to vector<1x1024xf32>
    %max3A_82 = arith.maximumf %max3A_74, %broadcast_in_dim3A_81 : vector<1x1024xf32>
    %slice3A_83 = vector.extract_strided_slice %get3A_3 {offsets = [0, 640], sizes = [1024, 64], strides = [1, 1]} : vector<1024x1024xf32> to vector<1024x64xf32>
    %slice3A_84 = vector.extract_strided_slice %get3A_8 {offsets = [0, 640], sizes = [1024, 64], strides = [1, 1]} : vector<1024x1024xf32> to vector<1024x64xf32>
    %dot_general3A_85 = arith.constant dense<0.000000e+00> : vector<1024x1024xf32>
    %dot_general3A_86 = tpu.matmul %slice3A_83, %slice3A_84, %dot_general3A_85 {dimension_numbers = #tpu.dot_dimension_numbers<[1], [1], [0], [0], [0, 0, 1, 0], [], []>, transpose_lhs_hint = false} : vector<1024x64xf32>, vector<1024x64xf32>, vector<1024x1024xf32> -> vector<1024x1024xf32>
    %reduce_max3A_87 = arith.constant dense<0xFF800000> : vector<1024xf32>
    %reduce_max3A_88 = vector.multi_reduction <maximumf>, %dot_general3A_86, %reduce_max3A_87 [0] : vector<1024x1024xf32> to vector<1024xf32>
    %broadcast_in_dim3A_89 = vector.shape_cast %reduce_max3A_88 : vector<1024xf32> to vector<1x1024xf32>
    %max3A_90 = arith.maximumf %max3A_82, %broadcast_in_dim3A_89 : vector<1x1024xf32>
    %slice3A_91 = vector.extract_strided_slice %get3A_3 {offsets = [0, 704], sizes = [1024, 64], strides = [1, 1]} : vector<1024x1024xf32> to vector<1024x64xf32>
    %slice3A_92 = vector.extract_strided_slice %get3A_8 {offsets = [0, 704], sizes = [1024, 64], strides = [1, 1]} : vector<1024x1024xf32> to vector<1024x64xf32>
    %dot_general3A_93 = arith.constant dense<0.000000e+00> : vector<1024x1024xf32>
    %dot_general3A_94 = tpu.matmul %slice3A_91, %slice3A_92, %dot_general3A_93 {dimension_numbers = #tpu.dot_dimension_numbers<[1], [1], [0], [0], [0, 0, 1, 0], [], []>, transpose_lhs_hint = false} : vector<1024x64xf32>, vector<1024x64xf32>, vector<1024x1024xf32> -> vector<1024x1024xf32>
    %reduce_max3A_95 = arith.constant dense<0xFF800000> : vector<1024xf32>
    %reduce_max3A_96 = vector.multi_reduction <maximumf>, %dot_general3A_94, %reduce_max3A_95 [0] : vector<1024x1024xf32> to vector<1024xf32>
    %broadcast_in_dim3A_97 = vector.shape_cast %reduce_max3A_96 : vector<1024xf32> to vector<1x1024xf32>
    %max3A_98 = arith.maximumf %max3A_90, %broadcast_in_dim3A_97 : vector<1x1024xf32>
    %slice3A_99 = vector.extract_strided_slice %get3A_3 {offsets = [0, 768], sizes = [1024, 64], strides = [1, 1]} : vector<1024x1024xf32> to vector<1024x64xf32>
    %slice3A_100 = vector.extract_strided_slice %get3A_8 {offsets = [0, 768], sizes = [1024, 64], strides = [1, 1]} : vector<1024x1024xf32> to vector<1024x64xf32>
    %dot_general3A_101 = arith.constant dense<0.000000e+00> : vector<1024x1024xf32>
    %dot_general3A_102 = tpu.matmul %slice3A_99, %slice3A_100, %dot_general3A_101 {dimension_numbers = #tpu.dot_dimension_numbers<[1], [1], [0], [0], [0, 0, 1, 0], [], []>, transpose_lhs_hint = false} : vector<1024x64xf32>, vector<1024x64xf32>, vector<1024x1024xf32> -> vector<1024x1024xf32>
    %reduce_max3A_103 = arith.constant dense<0xFF800000> : vector<1024xf32>
    %reduce_max3A_104 = vector.multi_reduction <maximumf>, %dot_general3A_102, %reduce_max3A_103 [0] : vector<1024x1024xf32> to vector<1024xf32>
    %broadcast_in_dim3A_105 = vector.shape_cast %reduce_max3A_104 : vector<1024xf32> to vector<1x1024xf32>
    %max3A_106 = arith.maximumf %max3A_98, %broadcast_in_dim3A_105 : vector<1x1024xf32>
    %slice3A_107 = vector.extract_strided_slice %get3A_3 {offsets = [0, 832], sizes = [1024, 64], strides = [1, 1]} : vector<1024x1024xf32> to vector<1024x64xf32>
    %slice3A_108 = vector.extract_strided_slice %get3A_8 {offsets = [0, 832], sizes = [1024, 64], strides = [1, 1]} : vector<1024x1024xf32> to vector<1024x64xf32>
    %dot_general3A_109 = arith.constant dense<0.000000e+00> : vector<1024x1024xf32>
    %dot_general3A_110 = tpu.matmul %slice3A_107, %slice3A_108, %dot_general3A_109 {dimension_numbers = #tpu.dot_dimension_numbers<[1], [1], [0], [0], [0, 0, 1, 0], [], []>, transpose_lhs_hint = false} : vector<1024x64xf32>, vector<1024x64xf32>, vector<1024x1024xf32> -> vector<1024x1024xf32>
    %reduce_max3A_111 = arith.constant dense<0xFF800000> : vector<1024xf32>
    %reduce_max3A_112 = vector.multi_reduction <maximumf>, %dot_general3A_110, %reduce_max3A_111 [0] : vector<1024x1024xf32> to vector<1024xf32>
    %broadcast_in_dim3A_113 = vector.shape_cast %reduce_max3A_112 : vector<1024xf32> to vector<1x1024xf32>
    %max3A_114 = arith.maximumf %max3A_106, %broadcast_in_dim3A_113 : vector<1x1024xf32>
    %slice3A_115 = vector.extract_strided_slice %get3A_3 {offsets = [0, 896], sizes = [1024, 64], strides = [1, 1]} : vector<1024x1024xf32> to vector<1024x64xf32>
    %slice3A_116 = vector.extract_strided_slice %get3A_8 {offsets = [0, 896], sizes = [1024, 64], strides = [1, 1]} : vector<1024x1024xf32> to vector<1024x64xf32>
    %dot_general3A_117 = arith.constant dense<0.000000e+00> : vector<1024x1024xf32>
    %dot_general3A_118 = tpu.matmul %slice3A_115, %slice3A_116, %dot_general3A_117 {dimension_numbers = #tpu.dot_dimension_numbers<[1], [1], [0], [0], [0, 0, 1, 0], [], []>, transpose_lhs_hint = false} : vector<1024x64xf32>, vector<1024x64xf32>, vector<1024x1024xf32> -> vector<1024x1024xf32>
    %reduce_max3A_119 = arith.constant dense<0xFF800000> : vector<1024xf32>
    %reduce_max3A_120 = vector.multi_reduction <maximumf>, %dot_general3A_118, %reduce_max3A_119 [0] : vector<1024x1024xf32> to vector<1024xf32>
    %broadcast_in_dim3A_121 = vector.shape_cast %reduce_max3A_120 : vector<1024xf32> to vector<1x1024xf32>
    %max3A_122 = arith.maximumf %max3A_114, %broadcast_in_dim3A_121 : vector<1x1024xf32>
    %slice3A_123 = vector.extract_strided_slice %get3A_3 {offsets = [0, 960], sizes = [1024, 64], strides = [1, 1]} : vector<1024x1024xf32> to vector<1024x64xf32>
    %slice3A_124 = vector.extract_strided_slice %get3A_8 {offsets = [0, 960], sizes = [1024, 64], strides = [1, 1]} : vector<1024x1024xf32> to vector<1024x64xf32>
    %dot_general3A_125 = arith.constant dense<0.000000e+00> : vector<1024x1024xf32>
    %dot_general3A_126 = tpu.matmul %slice3A_123, %slice3A_124, %dot_general3A_125 {dimension_numbers = #tpu.dot_dimension_numbers<[1], [1], [0], [0], [0, 0, 1, 0], [], []>, transpose_lhs_hint = false} : vector<1024x64xf32>, vector<1024x64xf32>, vector<1024x1024xf32> -> vector<1024x1024xf32>
    %reduce_max3A_127 = arith.constant dense<0xFF800000> : vector<1024xf32>
    %reduce_max3A_128 = vector.multi_reduction <maximumf>, %dot_general3A_126, %reduce_max3A_127 [0] : vector<1024x1024xf32> to vector<1024xf32>
    %broadcast_in_dim3A_129 = vector.shape_cast %reduce_max3A_128 : vector<1024xf32> to vector<1x1024xf32>
    %max3A_130 = arith.maximumf %max3A_122, %broadcast_in_dim3A_129 : vector<1x1024xf32>
    %eq3A = arith.constant 0 : i32
    %eq3A_131 = arith.cmpi eq, %arg1, %eq3A : i32
    %convert_element_type3A = arith.extui %eq3A_131 : i1 to i32
    %cond3A = arith.constant 0 : i32
    %cond3A_132 = arith.cmpi ne, %convert_element_type3A, %cond3A : i32
    scf.if %cond3A_132 {
      %swap3A = arith.constant 0 : index
      %swap3A_142 = arith.constant 0 : index
      %swap3A_143 = vector.load %arg5[%swap3A, %swap3A_142] : memref<1x1024xf32, #tpu.memory_space<vmem>>, vector<1x1024xf32>
      tpu.vector_store %arg5[%swap3A, %swap3A_142], %max3A_130 {strides = array<i32>} : memref<1x1024xf32, #tpu.memory_space<vmem>>, vector<1x1024xf32>,
    } else {
    }
    %gt3A = arith.constant 0 : i32
    %gt3A_133 = arith.cmpi sgt, %arg1, %gt3A : i32
    %convert_element_type3A_134 = arith.extui %gt3A_133 : i1 to i32
    %cond3A_135 = arith.constant 0 : i32
    %cond3A_136 = arith.cmpi ne, %convert_element_type3A_134, %cond3A_135 : i32
    scf.if %cond3A_136 {
      %get3A_142 = arith.constant 0 : index
      %get3A_143 = arith.constant 0 : index
      %get3A_144 = vector.load %arg5[%get3A_142, %get3A_143] : memref<1x1024xf32, #tpu.memory_space<vmem>>, vector<1x1024xf32>
      %max3A_145 = arith.maximumf %get3A_144, %max3A_130 : vector<1x1024xf32>
      %swap3A = arith.constant 0 : index
      %swap3A_146 = arith.constant 0 : index
      %swap3A_147 = vector.load %arg5[%swap3A, %swap3A_146] : memref<1x1024xf32, #tpu.memory_space<vmem>>, vector<1x1024xf32>
      tpu.vector_store %arg5[%swap3A, %swap3A_146], %max3A_145 {strides = array<i32>} : memref<1x1024xf32, #tpu.memory_space<vmem>>, vector<1x1024xf32>,
    } else {
    }
    %eq3A_137 = arith.constant 3 : i32
    %eq3A_138 = arith.cmpi eq, %arg1, %eq3A_137 : i32
    %convert_element_type3A_139 = arith.extui %eq3A_138 : i1 to i32
    %cond3A_140 = arith.constant 0 : i32
    %cond3A_141 = arith.cmpi ne, %convert_element_type3A_139, %cond3A_140 : i32
    scf.if %cond3A_141 {
      %get3A_142 = arith.constant 0 : index
      %get3A_143 = arith.constant 0 : index
      %get3A_144 = vector.load %arg5[%get3A_142, %get3A_143] : memref<1x1024xf32, #tpu.memory_space<vmem>>, vector<1x1024xf32>
      %iota3A = tpu.iota {dimensions = array<i32: 1>} : vector<1x1024xi32>
      %iota3A_145 = tpu.iota {dimensions = array<i32: 1>} : vector<1x64xi32>
      %broadcast_in_dim3A_146 = arith.constant 0 : i32
      %broadcast_in_dim3A_147 = vector.broadcast %broadcast_in_dim3A_146 : i32 to vector<1x64xi32>
      %scan3A = arith.constant 0 : i32
      %scan3A_148 = arith.constant 64 : i32
      %scan3A_149 = arith.addi %scan3A, %scan3A_148 : i32
      %scan3A_150 = arith.constant 1 : i32
      %scan3A_151:2 = scf.for %scan3A_160 = %scan3A to %scan3A_149 step %scan3A_150 iter_args(%scan3A_161 = %get3A_144, %scan3A_162 = %broadcast_in_dim3A_147) -> (vector<1x1024xf32>, vector<1x64xi32>)  : i32 {
        %reduce_max3A_163 = vector.shape_cast %scan3A_161 : vector<1x1024xf32> to vector<1x1x1024xf32>
        %reduce_max3A_164 = arith.constant dense<0xFF800000> : vector<1xf32>
        %reduce_max3A_165 = vector.multi_reduction <maximumf>, %reduce_max3A_163, %reduce_max3A_164 [1, 2] : vector<1x1x1024xf32> to vector<1xf32>
        %reduce_max3A_166 = vector.shape_cast %reduce_max3A_165 : vector<1xf32> to vector<1x1x1xf32>
        %reduce_max3A_167 = vector.extract %reduce_max3A_166[0, 0, 0] : f32 from vector<1x1x1xf32>
        %eq3A_168 = vector.broadcast %reduce_max3A_167 : f32 to vector<1x1024xf32>
        %eq3A_169 = arith.cmpf oeq, %scan3A_161, %eq3A_168 : vector<1x1024xf32>
        %jit3A = arith.constant 1024 : i32
        %broadcast_in_dim3A_170 = vector.broadcast %jit3A : i32 to vector<1x1024xi32>
        %select_n3A = arith.select %eq3A_169, %iota3A, %broadcast_in_dim3A_170 : vector<1x1024xi1>, vector<1x1024xi32>
        %reduce_min3A = vector.shape_cast %select_n3A : vector<1x1024xi32> to vector<1x1x1024xi32>
        %reduce_min3A_171 = arith.constant dense<2147483647> : vector<1xi32>
        %reduce_min3A_172 = vector.multi_reduction <minsi>, %reduce_min3A, %reduce_min3A_171 [1, 2] : vector<1x1x1024xi32> to vector<1xi32>
        %reduce_min3A_173 = vector.shape_cast %reduce_min3A_172 : vector<1xi32> to vector<1x1x1xi32>
        %reduce_min3A_174 = vector.extract %reduce_min3A_173[0, 0, 0] : i32 from vector<1x1x1xi32>
        %eq3A_175 = vector.broadcast %scan3A_160 : i32 to vector<1x64xi32>
        %eq3A_176 = arith.cmpi eq, %iota3A_145, %eq3A_175 : vector<1x64xi32>
        %broadcast_in_dim3A_177 = vector.broadcast %reduce_min3A_174 : i32 to vector<1x64xi32>
        %select_n3A_178 = arith.select %eq3A_176, %broadcast_in_dim3A_177, %scan3A_162 : vector<1x64xi1>, vector<1x64xi32>
        %eq3A_179 = vector.broadcast %reduce_min3A_174 : i32 to vector<1x1024xi32>
        %eq3A_180 = arith.cmpi eq, %iota3A, %eq3A_179 : vector<1x1024xi32>
        %jit3A_181 = arith.constant 0xFF800000 : f32
        %broadcast_in_dim3A_182 = vector.broadcast %jit3A_181 : f32 to vector<1x1024xf32>
        %select_n3A_183 = arith.select %eq3A_180, %broadcast_in_dim3A_182, %scan3A_161 : vector<1x1024xi1>, vector<1x1024xf32>
        scf.yield %select_n3A_183, %select_n3A_178 : vector<1x1024xf32>, vector<1x64xi32>
      }
      %scan3A_152 = arith.constant 64 : i32
      %mul3A = arith.constant 1024 : i32
      %mul3A_153 = arith.muli %arg0, %mul3A : i32
      %add3A = vector.broadcast %mul3A_153 : i32 to vector<1x64xi32>
      %add3A_154 = arith.addi %scan3A_151#1, %add3A : vector<1x64xi32>
      %swap3A = arith.constant 0 : index
      %swap3A_155 = arith.constant 0 : index
      %swap3A_156 = arith.constant 0 : index
      %swap3A_157 = vector.load %arg4[%swap3A, %swap3A_155, %swap3A_156] : memref<1x1x64xi32, #tpu.memory_space<vmem>>, vector<1x1x64xi32>
      %swap3A_158 = vector.shape_cast %swap3A_157 : vector<1x1x64xi32> to vector<1x64xi32>
      %swap3A_159 = vector.shape_cast %add3A_154 : vector<1x64xi32> to vector<1x1x64xi32>
      tpu.vector_store %arg4[%swap3A, %swap3A_155, %swap3A_156], %swap3A_159 {strides = array<i32>} : memref<1x1x64xi32, #tpu.memory_space<vmem>>, vector<1x1x64xi32>,
    } else {
    }
    return
  }
  func.func @transform_0(%arg0: i32, %arg1: i32) -> (i32, i32, i32) {
    %c0_i32 = arith.constant 0 : i32
    %c0_i32_0 = arith.constant 0 : i32
    return %arg0, %arg1, %c0_i32 : i32, i32, i32
  }
  func.func @transform_1(%arg0: i32, %arg1: i32) -> (i32, i32, i32) {
    %c0_i32 = arith.constant 0 : i32
    %c0_i32_0 = arith.constant 0 : i32
    %c0_i32_1 = arith.constant 0 : i32
    return %arg0, %c0_i32, %c0_i32_0 : i32, i32, i32
  }
  func.func @transform_2(%arg0: i32, %arg1: i32) -> (i32, i32, i32) {
    %c0_i32 = arith.constant 0 : i32
    %c0_i32_0 = arith.constant 0 : i32
    %c0_i32_1 = arith.constant 0 : i32
    return %arg0, %c0_i32, %c0_i32_0 : i32, i32, i32
  }
}

</mosaic_0001>

<sc_bundles>
// kernel: kernel.6.cloned.1.call-start
scs
__scs_entry_jumppad:
0x0: {  	(pc) =	sbr.rel $0x88, $3  }
0x1: {  	(tag) =	ssettag $0x0;
	lr =	simm.s32 $0x1  }
0x2: {  	[smem:$0x3F9C] =	sst lr;
	_ =	strace $0xD0000000  }
0x3: {  	_ = 	snop  }
0x4: {  	_ = 	snop  }
0x5: {  	_ = 	snop  }
0x6: {  	_ = 	snop  }
0x7: {  	_ = 	snop  }
__scs_overlays_trampoline_lowered:
0x8: {  	[smem:$0x3FAB] =	sst s0  }
0x9: {  	[smem:$0x3FAC] =	sst s1  }
0xa: {  	[smem:$0x3FAD] =	sst s2  }
0xb: {  	[smem:$0x3FAE] =	sst s3  }
0xc: {  	[smem:$0x3FAF] =	sst s4  }
0xd: {  	[smem:$0x3FB0] =	sst s5  }
0xe: {  	[smem:$0x3FB1] =	sst s6  }
0xf: {  	[smem:$0x3FB2] =	sst s7  }
0x10: {  	[smem:$0x3FB3] =	sst s8  }
0x11: {  	[smem:$0x3FB4] =	sst s9;
	s0 =	simm.s32 @!p0 $0x0  }
0x12: {  	s1 =	sld [smem:$0x3F9A];
	s0 =	simm.s32 @p0 $0x1  }
0x13: {  	[smem:$0x3FB5] =	sst s0;
	s0 =	simm.s32 @!p1 $0x0  }
0x14: {  	s2 =	sld [smem:$0x3F99];
	s0 =	simm.s32 @p1 $0x1  }
0x15: {  	[smem:$0x3FB6] =	sst s0;
	s0 =	simm.s32 @!p2 $0x0  }
0x16: {  	s3 =	sld [smem:$0x3FDB];
	s0 =	simm.s32 @p2 $0x1  }
0x17: {  	s4 =	simm.s32 $0x1BF5;
	[smem:$0x3FB8] =	sst s0  }
0x18: {  	s0 =	sld [smem:$0x3F9B];
	_ =	swait.ge [sflag:s4], $0x0  }
0x19: {  	s7 =	sld [smem:$0x3F9C]  }
0x1a: {  	s8 =	sadd.s32 $0xFFFFE003, lr  }
0x1b: {  	s9 =	sadd.s32 $0xFFFFFEF7, lr;
	s5 =	simm.s32 $0xFFFFFFFF;
	p2 =	slt.u32 s8, $0xFFFFF086  }
0x1c: {  	p1 =	slt.u32 s9, $0xF7A;
	s5 =	simm.s32 @!p2 $0x0  }
0x1d: {  	s5 =	simm.s32 @p1 $0x1;
	p0 =	seq.s32 s7, s2  }
0x1e: {  	s7 =	smul.u32 @!p0 $0xF7A, s2;
	p2 =	seq.s32 @!p0 s5, $0x0  }
0x1f: {  	s9 =	smul.u32 $0xF7A, s1;
	s8 =	simm.s32 @!p0 $0x1BF5;
	p2 =	por !p2, p0  }
0x20: {  	[sflag:s8] =	ssyncset.s32 @!p0 $0xFFFFF086;
	s6 =	sadd.s32 @!p0 s3, s7;
	s7 =	simm.s32 @!p0 $0x108  }
0x21: {  	s3 =	sadd.s32 s3, s9;
	s6 =	sadd.s32 @!p0 $0x88, s6;
	s7 =	simm.s32 @p2 $0x1082  }
0x22: {  	[simem:s7], [sflag:s8] =	dma.local @!p0 [hbm:s6], $0xF7A  }
0x23: {  	s9 =	sor.u32 $0xD0000000, s2;
	s6 =	simm.s32 $0x108;
	_ =	swait.ge @!p0 [sflag:s8], $0x0  }
0x24: {  	s3 =	sadd.s32 $0x88, s3;
	s6 =	simm.s32 @!p1 $0x1082;
	[sflag:s4] =	ssyncset.s32 $0xFFFFF086  }
0x25: {  	[simem:s6], [sflag:s4] =	dma.local [hbm:s3], $0xF7A  }
0x26: {  	[smem:$0x3F9C] =	sst s1;
	(tag) =	ssettag s2;
	_ =	strace s9  }
0x27: {  	s1 =	sld [smem:$0x3FAC]  }
0x28: {  	s2 =	sld [smem:$0x3FAD]  }
0x29: {  	s4 =	sld [smem:$0x3FAF]  }
0x2a: {  	p0 =	seq.s32 s5, $0x0;
	s5 =	sld [smem:$0x3FB0]  }
0x2b: {  	s6 =	sld [smem:$0x3FB1]  }
0x2c: {  	s7 =	sld [smem:$0x3FB2]  }
0x2d: {  	s3 =	simm.s32 $0x108;
	s8 =	sld [smem:$0x3FB3]  }
0x2e: {  	s3 =	simm.s32 @!p0 $0x1082;
	s9 =	sld [smem:$0x3FB4]  }
0x2f: {  	lr =	sadd.s32 s0, s3;
	s0 =	sld [smem:$0x3FAB]  }
0x30: {  	s3 =	sld [smem:$0x3FAE]  }
0x31: {  	[smem:$0x3FB7] =	sst s10  }
0x32: {  	s10 =	sld [smem:$0x3FB5];
	_ =	sdelay $0x3  }
0x33: {  	p0 =	seq.s32 s10, $0x1;
	s10 =	sld [smem:$0x3FB7];
	_ =	sdelay $0x3  }
0x34: {  	[smem:$0x3FB7] =	sst s10  }
0x35: {  	s10 =	sld [smem:$0x3FB6];
	_ =	sdelay $0x3  }
0x36: {  	p1 =	seq.s32 s10, $0x1;
	s10 =	sld [smem:$0x3FB7];
	_ =	sdelay $0x3  }
0x37: {  	[smem:$0x3FB7] =	sst s10  }
0x38: {  	s10 =	sld [smem:$0x3FB8]  }
0x39: {  	_ = 	snop;
	(pc) =	sbr.ind lr, $3  }
0x3a: {  	_ = 	snop  }
0x3b: {  	_ = 	snop  }
0x3c: {  	p2 =	seq.s32 s10, $0x1;
	s10 =	sld [smem:$0x3FB7]  }
0x3d: {  	_ =	shalt  }
0x3e: {  	_ =	shalt  }
0x3f: {  	_ =	shalt  }
0x40: {  	_ =	shalt  }
0x41: {  	_ =	shalt  }
0x42: {  	_ =	shalt  }
0x43: {  	_ =	shalt  }
0x44: {  	_ =	shalt  }
0x45: {  	_ =	shalt  }
0x46: {  	_ =	shalt  }
0x47: {  	_ =	shalt  }
0x48: {  	_ =	shalt  }
0x49: {  	_ =	shalt  }
0x4a: {  	_ =	shalt  }
0x4b: {  	_ =	shalt  }
0x4c: {  	_ =	shalt  }
0x4d: {  	_ =	shalt  }
0x4e: {  	_ =	shalt  }
0x4f: {  	_ =	shalt  }
0x50: {  	_ =	shalt  }
0x51: {  	_ =	shalt  }
0x52: {  	_ =	shalt  }
0x53: {  	_ =	shalt  }
0x54: {  	_ =	shalt  }
0x55: {  	_ =	shalt  }
0x56: {  	_ =	shalt  }
0x57: {  	_ =	shalt  }
0x58: {  	_ =	shalt  }
0x59: {  	_ =	shalt  }
0x5a: {  	_ =	shalt  }
0x5b: {  	_ =	shalt  }
0x5c: {  	_ =	shalt  }
0x5d: {  	_ =	shalt  }
0x5e: {  	_ =	shalt  }
0x5f: {  	_ =	shalt  }
0x60: {  	_ =	shalt  }
0x61: {  	_ =	shalt  }
0x62: {  	_ =	shalt  }
0x63: {  	_ =	shalt  }
0x64: {  	_ =	shalt  }
0x65: {  	_ =	shalt  }
0x66: {  	_ =	shalt  }
0x67: {  	_ =	shalt  }
0x68: {  	_ =	shalt  }
0x69: {  	_ =	shalt  }
0x6a: {  	_ =	shalt  }
0x6b: {  	_ =	shalt  }
0x6c: {  	_ =	shalt  }
0x6d: {  	_ =	shalt  }
0x6e: {  	_ =	shalt  }
0x6f: {  	_ =	shalt  }
0x70: {  	_ =	shalt  }
0x71: {  	_ =	shalt  }
0x72: {  	_ =	shalt  }
0x73: {  	_ =	shalt  }
0x74: {  	_ =	shalt  }
0x75: {  	_ =	shalt  }
0x76: {  	_ =	shalt  }
0x77: {  	_ =	shalt  }
0x78: {  	_ =	shalt  }
0x79: {  	_ =	shalt  }
0x7a: {  	_ =	shalt  }
0x7b: {  	_ =	shalt  }
0x7c: {  	_ =	shalt  }
0x7d: {  	_ =	shalt  }
0x7e: {  	_ =	shalt  }
0x7f: {  	_ =	shalt  }
0x80: {  	_ =	shalt  }
0x81: {  	_ =	shalt  }
0x82: {  	_ =	shalt  }
0x83: {  	_ =	shalt  }
0x84: {  	_ =	shalt  }
0x85: {  	_ =	shalt  }
0x86: {  	_ =	shalt  }
0x87: {  	_ =	shalt  }
.Lfunc_end0:
.L_simem_size_0:
called_computation_lowered:
.L_overlay_start_0:
0x88: {  	s2 =	sld [smem:$0x3FD9]  }
0x89: {  	s3 =	sld [smem:$0x3FFE];
	_ =	sdelay $0x1  }
0x8a: {  	s1 =	srdreg.scid  }
0x8b: {  	s0 =	sand.u32 $0x1, s1  }
0x8c: {  	s17 =	sshll.u32 s0, $0xA;
	s2 =	sadd.s32 s3, s2  }
0x8d: {  	s2 =	sadd.s32 s2, s17  }
0x8e: {  	[smem:$0x3FC3] =	sst s2  }
0x8f: {  	_ = 	snop  }
0x90: {  	s2 =	sld [smem:$0x3FD0];
	(tm) =	ssettm $0x1  }
0x91: {  	s18 =	sld [smem:$0x3FFB];
	_ =	sdelay $0x3  }
0x92: {  	_ =	strace s18  }
0x93: {  	s3 =	sld [smem:$0x3FFC];
	_ =	sdelay $0x3  }
0x94: {  	_ =	strace s3  }
0x95: {  	s3 =	sld [smem:$0x3FFD];
	_ =	sdelay $0x3  }
0x96: {  	_ =	strace s3  }
0x97: {  	_ =	strace $0x8FFFFFFF  }
0x98: {  	s19 =	sld [smem:$0x3FDB];
	_ =	sdelay $0x1  }
0x99: {  	s4 =	simm.s32 $_scs_section_size  }
0x9a: {  	s5 =	simm.s32 $_size__tile_overlayer_lowered;
	s6 =	simm.s32 $_tile_overlayer_lowered  }
0x9b: {  	s22 =	simm.s32 $0x1BFF;
	s21 =	sshll.u32 s6, $0x1;
	s3 =	sadd.s32 s4, s19  }
0x9c: {  	s7 =	simm.s32 $0x0;
	s20 =	sshll.u32 s5, $0x1;
	s5 =	sadd.s32 s21, s3  }
0x9d: {  	[timem:s7], [sflag:s22] =	dma.local [hbm:s5], s20  }
0x9e: {  	_ =	swait.ge [sflag:s22], s20  }
0x9f: {  	s4 =	ssub.s32 $0x0, s20;
	[sflag:s22] =	ssyncset.done $0x0  }
0xa0: {  	[sflag:s22] =	ssyncadd.s32 s4;
	_ =	sdelay $0x1  }
0xa1: {  	s23 =	simm.s32 $0x1B8B  }
0xa2: {  	_ =	swait.ge [sflag:s23], $0x1  }
0xa3: {  	[sflag:s23] =	ssyncset.done $0x0  }
0xa4: {  	s25 =	simm.s32 $0x1B8E;
	s24 =	sld [smem:$0x3FFE];
	[sflag:s23] =	ssyncadd.s32 $0xFFFFFFFF  }
0xa5: {  	s26 =	simm.s32 $execute0_lowered;
	[smem:$0x3FD2] =	sst s25  }
0xa6: {  	s5 =	sshll.u32 s26, $0x1;
	_ =	strace $0x80000046;
	[dreg:$0x1] =	wrdreg $0xFFFFFFFF  }
0xa7: {  	s28 =	simm.s32 $_size_execute0_lowered;
	s3 =	sadd.s32 s3, s5;
	[dreg:$0x0] =	wrdreg $0x0  }
0xa8: {  	s5 =	sshll.u32 s28, $0x1;
	[dreg:$0x2] =	wrdreg s3  }
0xa9: {  	[dreg:$0x3] =	wrdreg s5  }
0xaa: {  	[dreg:$0x4] =	wrdreg $0xC0  }
0xab: {  	_ =	task [dreg:s7], $0x5FFFF  }
0xac: {  	[dreg:$0x1] =	wrdreg $0xFFFFFFFF  }
0xad: {  	[dreg:$0x0] =	wrdreg $0x60  }
0xae: {  	[dreg:$0x2] =	wrdreg s24  }
0xaf: {  	[dreg:$0x3] =	wrdreg s2  }
0xb0: {  	[dreg:$0x4] =	wrdreg $0x9  }
0xb1: {  	_ =	task.clear_ibuf [dreg:s7], $0x5FFFF;
	_ =	strace $0x90000046  }
0xb2: {  	s29 =	simm.s32 $0x9;
	_ =	strace $0x80000048  }
0xb3: {  	_ =	swait.ge [sflag:s29], $0x1  }
0xb4: {  	[sflag:s29] =	ssyncadd.s32 $0xFFFFFFFF  }
0xb5: {  	_ =	strace $0x90000048  }
0xb6: {  	_ =	sfence  }
0xb7: {  	s30 =	sld [smem:$0x0];
	_ =	sdelay $0x2  }
0xb8: {  	s31 =	sshll.u32 s1, $0xD;
	s1 =	sshrl.u32 s1, $0x2  }
0xb9: {  	s3 =	sand.u32 $0x4000, s31;
	s1 =	sadd.s32 s1, s30  }
0xba: {  	s0 =	sor.u32 s3, s0;
	s1 =	sshll.u32 s1, $0x11  }
0xbb: {  	s0 =	sor.u32 s1, s0  }
0xbc: {  	s0 =	sadd.s32 $0x8F2B, s0  }
0xbd: {  	[sflag:s0] =	ssyncadd.remote.s32 $0x1  }
0xbe: {  	_ =	sfence.sel $0xFFFF  }
0xbf: {  	[dreg:$0x0] =	wrdreg $0xFFFFFFFF;
	(pc) =	sbr.abs _section_cstart, $3  }
0xc0: {  	[dreg:$0x1] =	wrdreg $0xFFFFFFFF  }
0xc1: {  	_ =	task.clear_ibuf [dreg:s7], $0x2FFFF;
	_ =	strace $0x9FFFFFFF  }
0xc2: {  	(tm) =	ssettm $0x7FFFFFFF  }
0xc3: {  	_ =	shalt  }
tec
execute0_lowered:
.L_overlay_start_1:
0x0: {  	(tag) =	ssettag $0x1  }
0x1: {  	s1 =	stileid.u32  }
0x2: {  	p0 =	sgt.u32 s1, $0x7  }
.Ltmp0:
0x3: {  	_ = 	snop;
	(pc) =	sbr.rel @p0 .LBB2_3-.Ltmp0, $4  }
0x4: {  	s7 =	rddreg [dreg:$0x0]  }
0x5: {  	s2 =	rddreg [dreg:$0x1];
	s3 =	simm.s32 $0x0  }
0x6: {  	[smem:$0x7FF] =	sst s3  }
0x7: {  	s0 =	rddreg [dreg:$0x2];
	_ =	strace $0x80000047  }
0x8: {  	s4 =	srdreg.scid  }
0x9: {  	s5 =	sshll.u32 s1, $0x1;
	s14 =	sadd.s32 $0x141400, s7;
	s6 =	sadd.s32 $0x101600, s7  }
0xa: {  	s10 =	sadd.s32 $0x200, s2;
	s11 =	sadd.s32 $0x300, s2;
	s17 =	simm.s32 $0x880  }
0xb: {  	s18 =	simm.s32 $0x1080;
	s19 =	simm.s32 $0x1880;
	s20 =	simm.s32 $0x1  }
0xc: {  	s21 =	simm.s32 $0x2080;
	s22 =	simm.s32 $0x2880;
	s23 =	simm.s32 $0x3080  }
0xd: {  	s24 =	simm.s32 $0x3880;
	s9 =	sand.u32 $0x1, s4;
	s4 =	sadd.s32 $0x101400, s7  }
0xe: {  	s13 =	sor.u32 s9, s5;
	s15 =	ssub.s32 $0x2, s9;
	s9 =	sadd.s32 $0x100, s2  }
0xf: {  	s5 =	sshll.u32 s13, $0xA;
	s16 =	sshrl.u32 s15, $0x1;
	s13 =	sadd.s32 s14, s13  }
0x10: {  	v0 =	vlaneseq.u32;
	s12 =	sadd.s32 s5, s7;
	s5 =	sadd.s32 $0x101500, s7;
	s7 =	sadd.s32 $0x101700, s7  }
0x11: {  	v1 =	vshrl.u32 v0, $0x3;
	s15 =	ssub.s32 s15, s16;
	s16 =	simm.s32 $0x80;
	s8 =	sadd.s32 $0x141600, s12  }
0x12: {  	vm0 =	vmmov $0xffff;
	v0 =	vand.u32 $0x7, v0;
	v1 =	vmul.u32 $0x8, v1;
	s12 =	sadd.s32 $0x145600, s12;
	s14 =	smax.u32 s15, $0x1;
	s15 =	simm.s32 $0x2  }
.LBB2_2:
0x13: {  	[tilespmem:s3], [sflag:$0x2] =	stream.linear.gather [hbm4b:s13+s3], $0x8, $0x38;
	[tilespmem:$0x4080] =	vst v63  }
0x14: {  	_ =	swait.ge [sflag:s15], $0x8  }
0x15: {  	[sflag:s15] =	ssyncset.done $0x0  }
0x16: {  	[sflag:s15] =	ssyncadd.s32 $0xFFFFFFF8  }
0x17: {  	v2 =	vld.msk [tilespmem:$0x0], $0xff;
	_ =	sdelay $0x4  }
0x18: {  	v3 =	vshll.u32 v2, $0x3  }
0x19: {  	v2 =	vand.u32 $0x7, v2;
	v3 =	vand.u32 $0xFFFFFFC0, v3  }
0x1a: {  	v2 =	vor.u32 v2, v3  }
0x1b: {  	v2 =	vperm.xlane v2, v0;
	_ =	sdelay $0x1  }
0x1c: {  	v2 =	vadd.s32 v1, v2;
	_ =	sdelay $0x4  }
0x1d: {  	[tilespmem:s16], [sflag:$0x1] =	stream.indirect_vreg.gather [hbm4b:s4+s3], $0x80, v2, vm0, $0xb8;
	[tilespmem:$0x4080] =	vst v63  }
0x1e: {  	_ = 	snop  }
0x1f: {  	[tilespmem:s17], [sflag:$0x1] =	stream.indirect_vreg.gather [hbm4b:s5+s3], $0x80, v2, vm0, $0xb8;
	[tilespmem:$0x4080] =	vst v63  }
0x20: {  	_ = 	snop  }
0x21: {  	[tilespmem:s18], [sflag:$0x1] =	stream.indirect_vreg.gather [hbm4b:s6+s3], $0x80, v2, vm0, $0xb8;
	[tilespmem:$0x4080] =	vst v63  }
0x22: {  	_ = 	snop  }
0x23: {  	[tilespmem:s19], [sflag:$0x1] =	stream.indirect_vreg.gather [hbm4b:s7+s3], $0x80, v2, vm0, $0xb8;
	[tilespmem:$0x4080] =	vst v63  }
0x24: {  	_ =	swait.ge [sflag:s20], $0x2000  }
0x25: {  	[sflag:s20] =	ssyncset.done $0x0  }
0x26: {  	[sflag:s20] =	ssyncadd.s32 $0xFFFFE000  }
0x27: {  	[hbm4b:s8+s3] =	stream.linear.scatter [tilespmem:s16], [sflag:$0x2], $0x2000, $0x38;
	[tilespmem:$0x4080] =	vst v63  }
0x28: {  	_ =	swait.ge [sflag:s15], $0x2000  }
0x29: {  	[sflag:s15] =	ssyncset.done $0x0  }
0x2a: {  	[sflag:s15] =	ssyncadd.s32 $0xFFFFE000  }
0x2b: {  	v2 =	vld.msk [tilespmem:$0x0], $0xff;
	_ =	sdelay $0x4  }
0x2c: {  	v3 =	vshll.u32 v2, $0x3  }
0x2d: {  	v2 =	vand.u32 $0x7, v2;
	v3 =	vand.u32 $0xFFFFFFC0, v3  }
0x2e: {  	v2 =	vor.u32 v2, v3  }
0x2f: {  	v2 =	vperm.xlane v2, v0;
	_ =	sdelay $0x1  }
0x30: {  	v2 =	vadd.s32 v1, v2;
	_ =	sdelay $0x4  }
0x31: {  	[tilespmem:s21], [sflag:$0x1] =	stream.indirect_vreg.gather [hbm4b:s2+s3], $0x80, v2, vm0, $0xb8;
	[tilespmem:$0x4080] =	vst v63  }
0x32: {  	_ = 	snop  }
0x33: {  	[tilespmem:s22], [sflag:$0x1] =	stream.indirect_vreg.gather [hbm4b:s9+s3], $0x80, v2, vm0, $0xb8;
	[tilespmem:$0x4080] =	vst v63  }
0x34: {  	_ = 	snop  }
0x35: {  	[tilespmem:s23], [sflag:$0x1] =	stream.indirect_vreg.gather [hbm4b:s10+s3], $0x80, v2, vm0, $0xb8;
	[tilespmem:$0x4080] =	vst v63  }
0x36: {  	_ = 	snop  }
0x37: {  	[tilespmem:s24], [sflag:$0x1] =	stream.indirect_vreg.gather [hbm4b:s11+s3], $0x80, v2, vm0, $0xb8;
	[tilespmem:$0x4080] =	vst v63  }
0x38: {  	_ =	swait.ge [sflag:s20], $0x2000  }
0x39: {  	p0 =	sne.s32 s14, $0x1;
	[sflag:s20] =	ssyncset.done $0x0  }
.Ltmp1:
0x3a: {  	[sflag:s20] =	ssyncadd.s32 $0xFFFFE000;
	(pc) =	sbr.rel @p0 .LBB2_2-.Ltmp1, $4  }
0x3b: {  	[hbm4b:s12+s3] =	stream.linear.scatter [tilespmem:s21], [sflag:$0x2], $0x2000, $0x38;
	[tilespmem:$0x4080] =	vst v63  }
0x3c: {  	_ =	swait.ge [sflag:s15], $0x2000  }
0x3d: {  	[sflag:s15] =	ssyncset.done $0x0  }
0x3e: {  	s14 =	sadd.s32 $0xFFFFFFFF, s14;
	[sflag:s15] =	ssyncadd.s32 $0xFFFFE000  }
.LBB2_3:
0x3f: {  	_ =	sfence.sel $0x180000  }
0x40: {  	[bflag:$0x0] =	sbarrier.arrive $0xFFFF  }
0x41: {  	p0 =	sne.s32 s1, $0x0;
	_ =	strace $0x90000047  }
0x42: {  	s0 =	sadd.s32 @!p0 $0x100000, s0;
	[bflag:$0x2] =	sbarrier.arrive $0xFFFF  }
0x43: {  	[sflag:s0] =	ssyncadd.tile.s32 @!p0 $0x1;
	_ =	shalt  }
.Lfunc_end2:
_tile_overlayer_lowered:
.L_overlay_start_2:
0x44: {  	(tag) =	ssettag $0x2  }
0x45: {  	s0 =	rddreg [dreg:$0x0];
	s2 =	stileid.u32  }
0x46: {  	s1 =	rddreg [dreg:$0x1];
	p0 =	sne.s32 s2, $0x0  }
0x47: {  	s3 =	rddreg [dreg:$0x2];
	[bflag:$0x3] =	sbarrier.arrive $0xFFFF;
	s2 =	simm.s32 @!p0 $0x1C02  }
0x48: {  	[timem:s3], [sflag:s2] =	dma.local @!p0 [hbm:s0], s1  }
0x49: {  	s0 =	simm.s32 @!p0 $0x2  }
0x4a: {  	_ =	swait.ge @!p0 [sflag:s0], s1  }
0x4b: {  	s1 =	ssub.s32 @!p0 $0x0, s1;
	[sflag:s0] =	ssyncset.done @!p0 $0x0  }
0x4c: {  	[sflag:s0] =	ssyncadd.s32 @!p0 s1  }
0x4d: {  	[bflag:$0x3] =	sbarrier.arrive $0xFFFF  }
0x4e: {  	_ =	shalt  }

</sc_bundles>
